<compile_context>
chip_gen: v7x
topology: tpu7x:2x2x1
jax: 0.10.2.dev20260603
libtpu: 0.0.44.dev20260713+nightly
codegen_flags: <defaults>
</compile_context>

<pallas_src>
import functools

import jax
import jax.numpy as jnp
from jax import lax
from jax.experimental import pallas as pl
from jax.experimental.pallas import tpu as pltpu
from jax.experimental.pallas import tpu_sc as plsc

VOCAB = 100000
EMB = 64
UNITS = 64
BATCH = 1024
SEQ = 50

TBLK = 8192
TGRID = -(-VOCAB // TBLK)


def _tr_body(tin_ref, out_ref):
    v = tin_ref[...]
    out_ref[:, 0:EMB] = v.T


def _tc_prep(tbl_t):
    return pl.pallas_call(
        _tr_body,
        grid=(TGRID,),
        in_specs=[pl.BlockSpec((EMB, TBLK), lambda i: (0, i))],
        out_specs=pl.BlockSpec((TBLK, 2 * EMB), lambda i: (i, 0)),
        out_shape=jax.ShapeDtypeStruct((VOCAB, 2 * EMB), jnp.float32),
    )(tbl_t)


NC = 2
NS = 16
NW = NC * NS
TOTAL_ROWS = BATCH * SEQ
ROWS_PER_W = TOTAL_ROWS // NW
PASS_ROWS = 800
CHUNK = 128
_CHUNKS = []
_off = 0
while _off < PASS_ROWS:
    _c = min(CHUNK, PASS_ROWS - _off)
    _CHUNKS.append((_off, _c))
    _off += _c


def _gather_body(table_hbm, idx_hbm, out_hbm, idx_v, rows_v, sem):
    wid = lax.axis_index("s") * NC + lax.axis_index("c")
    base = wid * ROWS_PER_W
    pltpu.sync_copy(idx_hbm.at[pl.ds(base, ROWS_PER_W)], idx_v)
    for p in range(ROWS_PER_W // PASS_ROWS):
        pbase = p * PASS_ROWS
        copies = []
        for off, c in _CHUNKS:
            cp = pltpu.async_copy(
                table_hbm.at[idx_v.at[pl.ds(pbase + off, c)]],
                rows_v.at[pl.ds(off, c)],
                sem,
            )
            copies.append(cp)
        for cp in copies:
            cp.wait()
        pltpu.sync_copy(rows_v, out_hbm.at[pl.ds(base + pbase, PASS_ROWS)])


def _sc_gather(table128, idx):
    mesh = plsc.VectorSubcoreMesh(core_axis_name="c", subcore_axis_name="s")
    f = functools.partial(
        pl.kernel,
        mesh=mesh,
        out_type=jax.ShapeDtypeStruct((TOTAL_ROWS, 2 * EMB), jnp.float32),
        scratch_types=[
            pltpu.VMEM((ROWS_PER_W,), jnp.int32),
            pltpu.VMEM((PASS_ROWS, 2 * EMB), jnp.float32),
            pltpu.SemaphoreType.DMA,
        ],
        compiler_params=pltpu.CompilerParams(use_tc_tiling_on_sc=True),
    )(_gather_body)
    return f(table128, idx)



SPI = 10


def _gru_body(emb_ref, w_ref, u_ref, bt_ref, seq_ref, last_ref,
              embt_ref, h_ref):
    g = pl.program_id(0)

    @pl.when(g == 0)
    def _():
        h_ref[...] = jnp.zeros((UNITS, BATCH), jnp.float32)

    W = w_ref[...]
    U = u_ref[...]
    bi = bt_ref[:, 0:1]
    br = bt_ref[:, 1:2]
    h = h_ref[...]

    for j in range(SPI):
        buf = emb_ref[j]
        x_t = buf.T[0:EMB]
        xp = lax.dot_general(W, x_t, (((0,), (0,)), ((), ())),
                             preferred_element_type=jnp.float32) + bi
        hp = lax.dot_general(U, h, (((0,), (0,)), ((), ())),
                             preferred_element_type=jnp.float32) + br
        z = jax.nn.sigmoid(xp[0:UNITS] + hp[0:UNITS])
        r = jax.nn.sigmoid(xp[UNITS:2 * UNITS] + hp[UNITS:2 * UNITS])
        hh = jnp.tanh(xp[2 * UNITS:] + r * hp[2 * UNITS:])
        h = z * h + (1.0 - z) * hh
        seq_ref[j] = h
        embt_ref[j] = x_t

    h_ref[...] = h

    @pl.when(g == SEQ // SPI - 1)
    def _():
        last_ref[...] = h


def _tc_gru(emb128, W, U, bt):
    return pl.pallas_call(
        _gru_body,
        grid=(SEQ // SPI,),
        in_specs=[
            pl.BlockSpec((SPI, BATCH, 2 * EMB), lambda s: (s, 0, 0)),
            pl.BlockSpec((EMB, 3 * UNITS), lambda s: (0, 0)),
            pl.BlockSpec((UNITS, 3 * UNITS), lambda s: (0, 0)),
            pl.BlockSpec((3 * UNITS, 2), lambda s: (0, 0)),
        ],
        out_specs=[
            pl.BlockSpec((SPI, UNITS, BATCH), lambda s: (s, 0, 0)),
            pl.BlockSpec((UNITS, BATCH), lambda s: (0, 0)),
            pl.BlockSpec((SPI, EMB, BATCH), lambda s: (s, 0, 0)),
        ],
        out_shape=[
            jax.ShapeDtypeStruct((SEQ, UNITS, BATCH), jnp.float32),
            jax.ShapeDtypeStruct((UNITS, BATCH), jnp.float32),
            jax.ShapeDtypeStruct((SEQ, EMB, BATCH), jnp.float32),
        ],
        scratch_shapes=[pltpu.VMEM((UNITS, BATCH), jnp.float32)],
    )(emb128, W, U, bt)


def kernel(x, initial, emb_table, W, U, b):
    del initial
    idx = jnp.swapaxes(x, 0, 1).reshape(-1).astype(jnp.int32)
    table128 = _tc_prep(emb_table.T)
    rows = _sc_gather(table128, idx)
    emb128 = rows.reshape(SEQ, BATCH, 2 * EMB)
    seq_t, last_t, emb_t = _tc_gru(emb128, W, U, b.T)
    seq_out = jnp.transpose(seq_t, (2, 0, 1))
    last_state = jnp.transpose(last_t, (1, 0))
    embedded = jnp.transpose(emb_t, (2, 0, 1))
    return (seq_out, last_state, embedded)

# --- scband reference (transcript-rebuilt; emitter-appended) ---
"""Pipeline reference for scband-rnnencoder-1185410973914 (READ-ONLY COPY).

The authoritative reference and input builder live on the scoring server;
editing this copy changes nothing except your own understanding.
"""

import jax, jax.numpy as jnp
import numpy as np

VOCAB = 100000
EMB = 64
UNITS = 64
BATCH = 1024
SEQ = 50


def gru_scan(emb, W, U, b, h0):
    # Keras GRU v2 semantics: reset_after=True, gate order [z, r, h]
    b_i, b_r = b[0], b[1]

    def step(h, x_t):
        x_proj = x_t @ W + b_i
        h_proj = h @ U + b_r
        xz, xr, xh = jnp.split(x_proj, 3, axis=-1)
        hz, hr, hh_ = jnp.split(h_proj, 3, axis=-1)
        z = jax.nn.sigmoid(xz + hz)
        r = jax.nn.sigmoid(xr + hr)
        hh = jnp.tanh(xh + r * hh_)
        h_new = (z * h + (1.0 - z) * hh).astype(h.dtype)
        return h_new, h_new

    xs = jnp.swapaxes(emb, 0, 1)  # [S, B, E]
    h_last, ys = jax.lax.scan(step, h0, xs)
    return jnp.swapaxes(ys, 0, 1), h_last


def setup_inputs(seed: int = 0) -> dict:
    key = jax.random.key(seed)
    k1, k2, k3, k4 = jax.random.split(key, 4)
    x = jax.random.randint(k1, (BATCH, SEQ), 0, VOCAB)
    initial = jnp.zeros((BATCH, UNITS), dtype=jnp.float32)
    emb_table = jax.random.normal(k2, (VOCAB, EMB), dtype=jnp.float32) * 0.05
    W = jax.random.normal(k3, (EMB, 3 * UNITS), dtype=jnp.float32) * (1.0 / np.sqrt(EMB))
    U = jax.random.normal(k4, (UNITS, 3 * UNITS), dtype=jnp.float32) * (1.0 / np.sqrt(UNITS))
    b = jnp.zeros((2, 3 * UNITS), dtype=jnp.float32)
    return {"x": x, "initial": initial, "emb_table": emb_table, "W": W, "U": U, "b": b}


def reference(x, initial, emb_table, W, U, b):
    # Faithful to the original (buggy) call: `initial` is accepted but NOT
    # passed to the GRU (Keras uses a zero initial state), and `hidden`
    # returned is the embedding output, not the GRU state.
    embedded = emb_table[x]  # gather: [B, S, EMB]
    h0 = jnp.zeros((x.shape[0], UNITS), dtype=embedded.dtype)
    seq_out, last_state = gru_scan(embedded, W, U, b, h0)
    # original returns (outputs, hidden) where outputs = (seq_out, last_state)
    # and hidden = embedded; flatten to a tuple of arrays
    return (seq_out, last_state, embedded)

if __name__ == "__main__":
    import jax
    _d = setup_inputs()
    print(jax.jit(kernel)(*tuple(_d.values())))

</pallas_src>

<mosaic_0001>
#map = affine_map<(d0, d1) -> (0, 0)>
#map1 = affine_map<(d0, d1) -> (0)>
module attributes {stable_mosaic.version = 14 : i64} {
  func.func @_gather_body(%arg0: i32, %arg1: i32, %arg2: memref<100000x128xf32, #tpu.memory_space<hbm>>, %arg3: memref<51200xi32, #tpu.memory_space<hbm>>, %arg4: memref<51200x128xf32, #tpu.memory_space<hbm>>, %arg5: memref<1600xi32, #tpu.memory_space<vmem>>, %arg6: memref<800x128xf32, #tpu.memory_space<vmem>>, %arg7: memref<!tpu.dma_semaphore, #tpu.memory_space<semaphore_mem>>) attributes {dimension_semantics = [#tpu.dimension_semantics<core_parallel>, #tpu.dimension_semantics<subcore_parallel>], iteration_bounds = array<i64: 2, 16>, scalar_prefetch = 0 : i64, scratch_operands = 3 : i64, tpu.core_type = #tpu.core_type<sc_vector_subcore>, window_params = [{transform_indices = #map}, {transform_indices = #map1}, {transform_indices = #map}]} {
    %mul3A = arith.constant 2 : i32
    %mul3A_0 = arith.muli %arg1, %mul3A : i32
    %add3A = arith.addi %mul3A_0, %arg0 : i32
    %mul3A_1 = arith.constant 1600 : i32
    %mul3A_2 = arith.muli %add3A, %mul3A_1 : i32
    "tpu.region"() ({
      %run_scoped3A = tpu.sem_alloc : memref<!tpu.dma_semaphore, #tpu.memory_space<semaphore_mem>>
      %dma_start3A_229 = tpu.memref_slice %arg3[%mul3A_2] : memref<51200xi32, #tpu.memory_space<hbm>> -> memref<1600xi32, #tpu.memory_space<hbm>>
      %dma_start3A_230 = tpu.memref_slice %arg3[%mul3A_2] : memref<51200xi32, #tpu.memory_space<hbm>> -> memref<1600xi32, #tpu.memory_space<hbm>>
      tpu.enqueue_dma source(%dma_start3A_230 : memref<1600xi32, #tpu.memory_space<hbm>>) target(%arg5 : memref<1600xi32, #tpu.memory_space<vmem>>) target_semaphore(%run_scoped3A : memref<!tpu.dma_semaphore, #tpu.memory_space<semaphore_mem>>)
      %dma_wait3A_231 = tpu.memref_slice %arg3[%mul3A_2] : memref<51200xi32, #tpu.memory_space<hbm>> -> memref<1600xi32, #tpu.memory_space<hbm>>
      %dma_wait3A_232 = tpu.memref_slice %arg3[%mul3A_2] : memref<51200xi32, #tpu.memory_space<hbm>> -> memref<1600xi32, #tpu.memory_space<hbm>>
      tpu.wait_dma2 semaphore(%run_scoped3A : memref<!tpu.dma_semaphore, #tpu.memory_space<semaphore_mem>>) src(%dma_wait3A_232 : memref<1600xi32, #tpu.memory_space<hbm>>) dst(%arg5 : memref<1600xi32, #tpu.memory_space<vmem>>)
      tpu.yield
    }) : () -> ()
    %dma_start3A = arith.constant 0 : i32
    %dma_start3A_3 = arith.constant 0 : i32
    %dma_start3A_4 = tpu.memref_slice %arg6[%dma_start3A, %dma_start3A_3] : memref<800x128xf32, #tpu.memory_space<vmem>> -> memref<128x128xf32, #tpu.memory_space<vmem>>
    %dma_start3A_5 = arith.constant 0 : i32
    %dma_start3A_6 = tpu.memref_slice %arg5[%dma_start3A_5] : memref<1600xi32, #tpu.memory_space<vmem>> -> memref<128xi32, #tpu.memory_space<vmem>>
    %dma_start3A_7 = arith.constant 0 : i32
    %dma_start3A_8 = arith.constant 0 : i32
    %dma_start3A_9 = tpu.memref_slice %arg2[%dma_start3A_7, %dma_start3A_8] : memref<100000x128xf32, #tpu.memory_space<hbm>> -> memref<100000x128xf32, #tpu.memory_space<hbm>>
    tpu.enqueue_indirect_dma source(%dma_start3A_9 : memref<100000x128xf32, #tpu.memory_space<hbm>>) target(%dma_start3A_4 : memref<128x128xf32, #tpu.memory_space<vmem>>) offsets(%dma_start3A_6 : memref<128xi32, #tpu.memory_space<vmem>>) semaphore(%arg7 : memref<!tpu.dma_semaphore, #tpu.memory_space<semaphore_mem>>)
    %dma_start3A_10 = arith.constant 128 : i32
    %dma_start3A_11 = arith.constant 0 : i32
    %dma_start3A_12 = tpu.memref_slice %arg6[%dma_start3A_10, %dma_start3A_11] : memref<800x128xf32, #tpu.memory_space<vmem>> -> memref<128x128xf32, #tpu.memory_space<vmem>>
    %dma_start3A_13 = arith.constant 128 : i32
    %dma_start3A_14 = tpu.memref_slice %arg5[%dma_start3A_13] : memref<1600xi32, #tpu.memory_space<vmem>> -> memref<128xi32, #tpu.memory_space<vmem>>
    %dma_start3A_15 = arith.constant 0 : i32
    %dma_start3A_16 = arith.constant 0 : i32
    %dma_start3A_17 = tpu.memref_slice %arg2[%dma_start3A_15, %dma_start3A_16] : memref<100000x128xf32, #tpu.memory_space<hbm>> -> memref<100000x128xf32, #tpu.memory_space<hbm>>
    tpu.enqueue_indirect_dma source(%dma_start3A_17 : memref<100000x128xf32, #tpu.memory_space<hbm>>) target(%dma_start3A_12 : memref<128x128xf32, #tpu.memory_space<vmem>>) offsets(%dma_start3A_14 : memref<128xi32, #tpu.memory_space<vmem>>) semaphore(%arg7 : memref<!tpu.dma_semaphore, #tpu.memory_space<semaphore_mem>>)
    %dma_start3A_18 = arith.constant 256 : i32
    %dma_start3A_19 = arith.constant 0 : i32
    %dma_start3A_20 = tpu.memref_slice %arg6[%dma_start3A_18, %dma_start3A_19] : memref<800x128xf32, #tpu.memory_space<vmem>> -> memref<128x128xf32, #tpu.memory_space<vmem>>
    %dma_start3A_21 = arith.constant 256 : i32
    %dma_start3A_22 = tpu.memref_slice %arg5[%dma_start3A_21] : memref<1600xi32, #tpu.memory_space<vmem>> -> memref<128xi32, #tpu.memory_space<vmem>>
    %dma_start3A_23 = arith.constant 0 : i32
    %dma_start3A_24 = arith.constant 0 : i32
    %dma_start3A_25 = tpu.memref_slice %arg2[%dma_start3A_23, %dma_start3A_24] : memref<100000x128xf32, #tpu.memory_space<hbm>> -> memref<100000x128xf32, #tpu.memory_space<hbm>>
    tpu.enqueue_indirect_dma source(%dma_start3A_25 : memref<100000x128xf32, #tpu.memory_space<hbm>>) target(%dma_start3A_20 : memref<128x128xf32, #tpu.memory_space<vmem>>) offsets(%dma_start3A_22 : memref<128xi32, #tpu.memory_space<vmem>>) semaphore(%arg7 : memref<!tpu.dma_semaphore, #tpu.memory_space<semaphore_mem>>)
    %dma_start3A_26 = arith.constant 384 : i32
    %dma_start3A_27 = arith.constant 0 : i32
    %dma_start3A_28 = tpu.memref_slice %arg6[%dma_start3A_26, %dma_start3A_27] : memref<800x128xf32, #tpu.memory_space<vmem>> -> memref<128x128xf32, #tpu.memory_space<vmem>>
    %dma_start3A_29 = arith.constant 384 : i32
    %dma_start3A_30 = tpu.memref_slice %arg5[%dma_start3A_29] : memref<1600xi32, #tpu.memory_space<vmem>> -> memref<128xi32, #tpu.memory_space<vmem>>
    %dma_start3A_31 = arith.constant 0 : i32
    %dma_start3A_32 = arith.constant 0 : i32
    %dma_start3A_33 = tpu.memref_slice %arg2[%dma_start3A_31, %dma_start3A_32] : memref<100000x128xf32, #tpu.memory_space<hbm>> -> memref<100000x128xf32, #tpu.memory_space<hbm>>
    tpu.enqueue_indirect_dma source(%dma_start3A_33 : memref<100000x128xf32, #tpu.memory_space<hbm>>) target(%dma_start3A_28 : memref<128x128xf32, #tpu.memory_space<vmem>>) offsets(%dma_start3A_30 : memref<128xi32, #tpu.memory_space<vmem>>) semaphore(%arg7 : memref<!tpu.dma_semaphore, #tpu.memory_space<semaphore_mem>>)
    %dma_start3A_34 = arith.constant 512 : i32
    %dma_start3A_35 = arith.constant 0 : i32
    %dma_start3A_36 = tpu.memref_slice %arg6[%dma_start3A_34, %dma_start3A_35] : memref<800x128xf32, #tpu.memory_space<vmem>> -> memref<128x128xf32, #tpu.memory_space<vmem>>
    %dma_start3A_37 = arith.constant 512 : i32
    %dma_start3A_38 = tpu.memref_slice %arg5[%dma_start3A_37] : memref<1600xi32, #tpu.memory_space<vmem>> -> memref<128xi32, #tpu.memory_space<vmem>>
    %dma_start3A_39 = arith.constant 0 : i32
    %dma_start3A_40 = arith.constant 0 : i32
    %dma_start3A_41 = tpu.memref_slice %arg2[%dma_start3A_39, %dma_start3A_40] : memref<100000x128xf32, #tpu.memory_space<hbm>> -> memref<100000x128xf32, #tpu.memory_space<hbm>>
    tpu.enqueue_indirect_dma source(%dma_start3A_41 : memref<100000x128xf32, #tpu.memory_space<hbm>>) target(%dma_start3A_36 : memref<128x128xf32, #tpu.memory_space<vmem>>) offsets(%dma_start3A_38 : memref<128xi32, #tpu.memory_space<vmem>>) semaphore(%arg7 : memref<!tpu.dma_semaphore, #tpu.memory_space<semaphore_mem>>)
    %dma_start3A_42 = arith.constant 640 : i32
    %dma_start3A_43 = arith.constant 0 : i32
    %dma_start3A_44 = tpu.memref_slice %arg6[%dma_start3A_42, %dma_start3A_43] : memref<800x128xf32, #tpu.memory_space<vmem>> -> memref<128x128xf32, #tpu.memory_space<vmem>>
    %dma_start3A_45 = arith.constant 640 : i32
    %dma_start3A_46 = tpu.memref_slice %arg5[%dma_start3A_45] : memref<1600xi32, #tpu.memory_space<vmem>> -> memref<128xi32, #tpu.memory_space<vmem>>
    %dma_start3A_47 = arith.constant 0 : i32
    %dma_start3A_48 = arith.constant 0 : i32
    %dma_start3A_49 = tpu.memref_slice %arg2[%dma_start3A_47, %dma_start3A_48] : memref<100000x128xf32, #tpu.memory_space<hbm>> -> memref<100000x128xf32, #tpu.memory_space<hbm>>
    tpu.enqueue_indirect_dma source(%dma_start3A_49 : memref<100000x128xf32, #tpu.memory_space<hbm>>) target(%dma_start3A_44 : memref<128x128xf32, #tpu.memory_space<vmem>>) offsets(%dma_start3A_46 : memref<128xi32, #tpu.memory_space<vmem>>) semaphore(%arg7 : memref<!tpu.dma_semaphore, #tpu.memory_space<semaphore_mem>>)
    %dma_start3A_50 = arith.constant 768 : i32
    %dma_start3A_51 = arith.constant 0 : i32
    %dma_start3A_52 = tpu.memref_slice %arg6[%dma_start3A_50, %dma_start3A_51] : memref<800x128xf32, #tpu.memory_space<vmem>> -> memref<32x128xf32, #tpu.memory_space<vmem>>
    %dma_start3A_53 = arith.constant 768 : i32
    %dma_start3A_54 = tpu.memref_slice %arg5[%dma_start3A_53] : memref<1600xi32, #tpu.memory_space<vmem>> -> memref<32xi32, #tpu.memory_space<vmem>>
    %dma_start3A_55 = arith.constant 0 : i32
    %dma_start3A_56 = arith.constant 0 : i32
    %dma_start3A_57 = tpu.memref_slice %arg2[%dma_start3A_55, %dma_start3A_56] : memref<100000x128xf32, #tpu.memory_space<hbm>> -> memref<100000x128xf32, #tpu.memory_space<hbm>>
    tpu.enqueue_indirect_dma source(%dma_start3A_57 : memref<100000x128xf32, #tpu.memory_space<hbm>>) target(%dma_start3A_52 : memref<32x128xf32, #tpu.memory_space<vmem>>) offsets(%dma_start3A_54 : memref<32xi32, #tpu.memory_space<vmem>>) semaphore(%arg7 : memref<!tpu.dma_semaphore, #tpu.memory_space<semaphore_mem>>)
    %dma_wait3A = arith.constant 0 : i32
    %dma_wait3A_58 = arith.constant 0 : i32
    %dma_wait3A_59 = tpu.memref_slice %arg6[%dma_wait3A, %dma_wait3A_58] : memref<800x128xf32, #tpu.memory_space<vmem>> -> memref<128x128xf32, #tpu.memory_space<vmem>>
    %dma_wait3A_60 = arith.constant 0 : i32
    %dma_wait3A_61 = tpu.memref_slice %arg5[%dma_wait3A_60] : memref<1600xi32, #tpu.memory_space<vmem>> -> memref<128xi32, #tpu.memory_space<vmem>>
    %dma_wait3A_62 = arith.constant 0 : i32
    %dma_wait3A_63 = arith.constant 0 : i32
    %dma_wait3A_64 = tpu.memref_slice %arg2[%dma_wait3A_62, %dma_wait3A_63] : memref<100000x128xf32, #tpu.memory_space<hbm>> -> memref<100000x128xf32, #tpu.memory_space<hbm>>
    tpu.wait_indirect_dma semaphore(%arg7 : memref<!tpu.dma_semaphore, #tpu.memory_space<semaphore_mem>>) src(%dma_wait3A_64 : memref<100000x128xf32, #tpu.memory_space<hbm>>) dst(%dma_wait3A_59 : memref<128x128xf32, #tpu.memory_space<vmem>>)
    %dma_wait3A_65 = arith.constant 128 : i32
    %dma_wait3A_66 = arith.constant 0 : i32
    %dma_wait3A_67 = tpu.memref_slice %arg6[%dma_wait3A_65, %dma_wait3A_66] : memref<800x128xf32, #tpu.memory_space<vmem>> -> memref<128x128xf32, #tpu.memory_space<vmem>>
    %dma_wait3A_68 = arith.constant 128 : i32
    %dma_wait3A_69 = tpu.memref_slice %arg5[%dma_wait3A_68] : memref<1600xi32, #tpu.memory_space<vmem>> -> memref<128xi32, #tpu.memory_space<vmem>>
    %dma_wait3A_70 = arith.constant 0 : i32
    %dma_wait3A_71 = arith.constant 0 : i32
    %dma_wait3A_72 = tpu.memref_slice %arg2[%dma_wait3A_70, %dma_wait3A_71] : memref<100000x128xf32, #tpu.memory_space<hbm>> -> memref<100000x128xf32, #tpu.memory_space<hbm>>
    tpu.wait_indirect_dma semaphore(%arg7 : memref<!tpu.dma_semaphore, #tpu.memory_space<semaphore_mem>>) src(%dma_wait3A_72 : memref<100000x128xf32, #tpu.memory_space<hbm>>) dst(%dma_wait3A_67 : memref<128x128xf32, #tpu.memory_space<vmem>>)
    %dma_wait3A_73 = arith.constant 256 : i32
    %dma_wait3A_74 = arith.constant 0 : i32
    %dma_wait3A_75 = tpu.memref_slice %arg6[%dma_wait3A_73, %dma_wait3A_74] : memref<800x128xf32, #tpu.memory_space<vmem>> -> memref<128x128xf32, #tpu.memory_space<vmem>>
    %dma_wait3A_76 = arith.constant 256 : i32
    %dma_wait3A_77 = tpu.memref_slice %arg5[%dma_wait3A_76] : memref<1600xi32, #tpu.memory_space<vmem>> -> memref<128xi32, #tpu.memory_space<vmem>>
    %dma_wait3A_78 = arith.constant 0 : i32
    %dma_wait3A_79 = arith.constant 0 : i32
    %dma_wait3A_80 = tpu.memref_slice %arg2[%dma_wait3A_78, %dma_wait3A_79] : memref<100000x128xf32, #tpu.memory_space<hbm>> -> memref<100000x128xf32, #tpu.memory_space<hbm>>
    tpu.wait_indirect_dma semaphore(%arg7 : memref<!tpu.dma_semaphore, #tpu.memory_space<semaphore_mem>>) src(%dma_wait3A_80 : memref<100000x128xf32, #tpu.memory_space<hbm>>) dst(%dma_wait3A_75 : memref<128x128xf32, #tpu.memory_space<vmem>>)
    %dma_wait3A_81 = arith.constant 384 : i32
    %dma_wait3A_82 = arith.constant 0 : i32
    %dma_wait3A_83 = tpu.memref_slice %arg6[%dma_wait3A_81, %dma_wait3A_82] : memref<800x128xf32, #tpu.memory_space<vmem>> -> memref<128x128xf32, #tpu.memory_space<vmem>>
    %dma_wait3A_84 = arith.constant 384 : i32
    %dma_wait3A_85 = tpu.memref_slice %arg5[%dma_wait3A_84] : memref<1600xi32, #tpu.memory_space<vmem>> -> memref<128xi32, #tpu.memory_space<vmem>>
    %dma_wait3A_86 = arith.constant 0 : i32
    %dma_wait3A_87 = arith.constant 0 : i32
    %dma_wait3A_88 = tpu.memref_slice %arg2[%dma_wait3A_86, %dma_wait3A_87] : memref<100000x128xf32, #tpu.memory_space<hbm>> -> memref<100000x128xf32, #tpu.memory_space<hbm>>
    tpu.wait_indirect_dma semaphore(%arg7 : memref<!tpu.dma_semaphore, #tpu.memory_space<semaphore_mem>>) src(%dma_wait3A_88 : memref<100000x128xf32, #tpu.memory_space<hbm>>) dst(%dma_wait3A_83 : memref<128x128xf32, #tpu.memory_space<vmem>>)
    %dma_wait3A_89 = arith.constant 512 : i32
    %dma_wait3A_90 = arith.constant 0 : i32
    %dma_wait3A_91 = tpu.memref_slice %arg6[%dma_wait3A_89, %dma_wait3A_90] : memref<800x128xf32, #tpu.memory_space<vmem>> -> memref<128x128xf32, #tpu.memory_space<vmem>>
    %dma_wait3A_92 = arith.constant 512 : i32
    %dma_wait3A_93 = tpu.memref_slice %arg5[%dma_wait3A_92] : memref<1600xi32, #tpu.memory_space<vmem>> -> memref<128xi32, #tpu.memory_space<vmem>>
    %dma_wait3A_94 = arith.constant 0 : i32
    %dma_wait3A_95 = arith.constant 0 : i32
    %dma_wait3A_96 = tpu.memref_slice %arg2[%dma_wait3A_94, %dma_wait3A_95] : memref<100000x128xf32, #tpu.memory_space<hbm>> -> memref<100000x128xf32, #tpu.memory_space<hbm>>
    tpu.wait_indirect_dma semaphore(%arg7 : memref<!tpu.dma_semaphore, #tpu.memory_space<semaphore_mem>>) src(%dma_wait3A_96 : memref<100000x128xf32, #tpu.memory_space<hbm>>) dst(%dma_wait3A_91 : memref<128x128xf32, #tpu.memory_space<vmem>>)
    %dma_wait3A_97 = arith.constant 640 : i32
    %dma_wait3A_98 = arith.constant 0 : i32
    %dma_wait3A_99 = tpu.memref_slice %arg6[%dma_wait3A_97, %dma_wait3A_98] : memref<800x128xf32, #tpu.memory_space<vmem>> -> memref<128x128xf32, #tpu.memory_space<vmem>>
    %dma_wait3A_100 = arith.constant 640 : i32
    %dma_wait3A_101 = tpu.memref_slice %arg5[%dma_wait3A_100] : memref<1600xi32, #tpu.memory_space<vmem>> -> memref<128xi32, #tpu.memory_space<vmem>>
    %dma_wait3A_102 = arith.constant 0 : i32
    %dma_wait3A_103 = arith.constant 0 : i32
    %dma_wait3A_104 = tpu.memref_slice %arg2[%dma_wait3A_102, %dma_wait3A_103] : memref<100000x128xf32, #tpu.memory_space<hbm>> -> memref<100000x128xf32, #tpu.memory_space<hbm>>
    tpu.wait_indirect_dma semaphore(%arg7 : memref<!tpu.dma_semaphore, #tpu.memory_space<semaphore_mem>>) src(%dma_wait3A_104 : memref<100000x128xf32, #tpu.memory_space<hbm>>) dst(%dma_wait3A_99 : memref<128x128xf32, #tpu.memory_space<vmem>>)
    %dma_wait3A_105 = arith.constant 768 : i32
    %dma_wait3A_106 = arith.constant 0 : i32
    %dma_wait3A_107 = tpu.memref_slice %arg6[%dma_wait3A_105, %dma_wait3A_106] : memref<800x128xf32, #tpu.memory_space<vmem>> -> memref<32x128xf32, #tpu.memory_space<vmem>>
    %dma_wait3A_108 = arith.constant 768 : i32
    %dma_wait3A_109 = tpu.memref_slice %arg5[%dma_wait3A_108] : memref<1600xi32, #tpu.memory_space<vmem>> -> memref<32xi32, #tpu.memory_space<vmem>>
    %dma_wait3A_110 = arith.constant 0 : i32
    %dma_wait3A_111 = arith.constant 0 : i32
    %dma_wait3A_112 = tpu.memref_slice %arg2[%dma_wait3A_110, %dma_wait3A_111] : memref<100000x128xf32, #tpu.memory_space<hbm>> -> memref<100000x128xf32, #tpu.memory_space<hbm>>
    tpu.wait_indirect_dma semaphore(%arg7 : memref<!tpu.dma_semaphore, #tpu.memory_space<semaphore_mem>>) src(%dma_wait3A_112 : memref<100000x128xf32, #tpu.memory_space<hbm>>) dst(%dma_wait3A_107 : memref<32x128xf32, #tpu.memory_space<vmem>>)
    %add3A_113 = arith.constant 0 : i32
    %add3A_114 = arith.addi %mul3A_2, %add3A_113 : i32
    "tpu.region"() ({
      %run_scoped3A = tpu.sem_alloc : memref<!tpu.dma_semaphore, #tpu.memory_space<semaphore_mem>>
      %dma_start3A_229 = arith.constant 0 : i32
      %dma_start3A_230 = tpu.memref_slice %arg4[%add3A_114, %dma_start3A_229] : memref<51200x128xf32, #tpu.memory_space<hbm>> -> memref<800x128xf32, #tpu.memory_space<hbm>>
      %dma_start3A_231 = arith.constant 0 : i32
      %dma_start3A_232 = tpu.memref_slice %arg4[%add3A_114, %dma_start3A_231] : memref<51200x128xf32, #tpu.memory_space<hbm>> -> memref<800x128xf32, #tpu.memory_space<hbm>>
      tpu.enqueue_dma source(%arg6 : memref<800x128xf32, #tpu.memory_space<vmem>>) target(%dma_start3A_232 : memref<800x128xf32, #tpu.memory_space<hbm>>) target_semaphore(%run_scoped3A : memref<!tpu.dma_semaphore, #tpu.memory_space<semaphore_mem>>)
      %dma_wait3A_233 = arith.constant 0 : i32
      %dma_wait3A_234 = tpu.memref_slice %arg4[%add3A_114, %dma_wait3A_233] : memref<51200x128xf32, #tpu.memory_space<hbm>> -> memref<800x128xf32, #tpu.memory_space<hbm>>
      %dma_wait3A_235 = arith.constant 0 : i32
      %dma_wait3A_236 = tpu.memref_slice %arg4[%add3A_114, %dma_wait3A_235] : memref<51200x128xf32, #tpu.memory_space<hbm>> -> memref<800x128xf32, #tpu.memory_space<hbm>>
      tpu.wait_dma2 semaphore(%run_scoped3A : memref<!tpu.dma_semaphore, #tpu.memory_space<semaphore_mem>>) src(%arg6 : memref<800x128xf32, #tpu.memory_space<vmem>>) dst(%dma_wait3A_236 : memref<800x128xf32, #tpu.memory_space<hbm>>)
      tpu.yield
    }) : () -> ()
    %dma_start3A_115 = arith.constant 0 : i32
    %dma_start3A_116 = arith.constant 0 : i32
    %dma_start3A_117 = tpu.memref_slice %arg6[%dma_start3A_115, %dma_start3A_116] : memref<800x128xf32, #tpu.memory_space<vmem>> -> memref<128x128xf32, #tpu.memory_space<vmem>>
    %dma_start3A_118 = arith.constant 800 : i32
    %dma_start3A_119 = tpu.memref_slice %arg5[%dma_start3A_118] : memref<1600xi32, #tpu.memory_space<vmem>> -> memref<128xi32, #tpu.memory_space<vmem>>
    %dma_start3A_120 = arith.constant 0 : i32
    %dma_start3A_121 = arith.constant 0 : i32
    %dma_start3A_122 = tpu.memref_slice %arg2[%dma_start3A_120, %dma_start3A_121] : memref<100000x128xf32, #tpu.memory_space<hbm>> -> memref<100000x128xf32, #tpu.memory_space<hbm>>
    tpu.enqueue_indirect_dma source(%dma_start3A_122 : memref<100000x128xf32, #tpu.memory_space<hbm>>) target(%dma_start3A_117 : memref<128x128xf32, #tpu.memory_space<vmem>>) offsets(%dma_start3A_119 : memref<128xi32, #tpu.memory_space<vmem>>) semaphore(%arg7 : memref<!tpu.dma_semaphore, #tpu.memory_space<semaphore_mem>>)
    %dma_start3A_123 = arith.constant 128 : i32
    %dma_start3A_124 = arith.constant 0 : i32
    %dma_start3A_125 = tpu.memref_slice %arg6[%dma_start3A_123, %dma_start3A_124] : memref<800x128xf32, #tpu.memory_space<vmem>> -> memref<128x128xf32, #tpu.memory_space<vmem>>
    %dma_start3A_126 = arith.constant 928 : i32
    %dma_start3A_127 = tpu.memref_slice %arg5[%dma_start3A_126] : memref<1600xi32, #tpu.memory_space<vmem>> -> memref<128xi32, #tpu.memory_space<vmem>>
    %dma_start3A_128 = arith.constant 0 : i32
    %dma_start3A_129 = arith.constant 0 : i32
    %dma_start3A_130 = tpu.memref_slice %arg2[%dma_start3A_128, %dma_start3A_129] : memref<100000x128xf32, #tpu.memory_space<hbm>> -> memref<100000x128xf32, #tpu.memory_space<hbm>>
    tpu.enqueue_indirect_dma source(%dma_start3A_130 : memref<100000x128xf32, #tpu.memory_space<hbm>>) target(%dma_start3A_125 : memref<128x128xf32, #tpu.memory_space<vmem>>) offsets(%dma_start3A_127 : memref<128xi32, #tpu.memory_space<vmem>>) semaphore(%arg7 : memref<!tpu.dma_semaphore, #tpu.memory_space<semaphore_mem>>)
    %dma_start3A_131 = arith.constant 256 : i32
    %dma_start3A_132 = arith.constant 0 : i32
    %dma_start3A_133 = tpu.memref_slice %arg6[%dma_start3A_131, %dma_start3A_132] : memref<800x128xf32, #tpu.memory_space<vmem>> -> memref<128x128xf32, #tpu.memory_space<vmem>>
    %dma_start3A_134 = arith.constant 1056 : i32
    %dma_start3A_135 = tpu.memref_slice %arg5[%dma_start3A_134] : memref<1600xi32, #tpu.memory_space<vmem>> -> memref<128xi32, #tpu.memory_space<vmem>>
    %dma_start3A_136 = arith.constant 0 : i32
    %dma_start3A_137 = arith.constant 0 : i32
    %dma_start3A_138 = tpu.memref_slice %arg2[%dma_start3A_136, %dma_start3A_137] : memref<100000x128xf32, #tpu.memory_space<hbm>> -> memref<100000x128xf32, #tpu.memory_space<hbm>>
    tpu.enqueue_indirect_dma source(%dma_start3A_138 : memref<100000x128xf32, #tpu.memory_space<hbm>>) target(%dma_start3A_133 : memref<128x128xf32, #tpu.memory_space<vmem>>) offsets(%dma_start3A_135 : memref<128xi32, #tpu.memory_space<vmem>>) semaphore(%arg7 : memref<!tpu.dma_semaphore, #tpu.memory_space<semaphore_mem>>)
    %dma_start3A_139 = arith.constant 384 : i32
    %dma_start3A_140 = arith.constant 0 : i32
    %dma_start3A_141 = tpu.memref_slice %arg6[%dma_start3A_139, %dma_start3A_140] : memref<800x128xf32, #tpu.memory_space<vmem>> -> memref<128x128xf32, #tpu.memory_space<vmem>>
    %dma_start3A_142 = arith.constant 1184 : i32
    %dma_start3A_143 = tpu.memref_slice %arg5[%dma_start3A_142] : memref<1600xi32, #tpu.memory_space<vmem>> -> memref<128xi32, #tpu.memory_space<vmem>>
    %dma_start3A_144 = arith.constant 0 : i32
    %dma_start3A_145 = arith.constant 0 : i32
    %dma_start3A_146 = tpu.memref_slice %arg2[%dma_start3A_144, %dma_start3A_145] : memref<100000x128xf32, #tpu.memory_space<hbm>> -> memref<100000x128xf32, #tpu.memory_space<hbm>>
    tpu.enqueue_indirect_dma source(%dma_start3A_146 : memref<100000x128xf32, #tpu.memory_space<hbm>>) target(%dma_start3A_141 : memref<128x128xf32, #tpu.memory_space<vmem>>) offsets(%dma_start3A_143 : memref<128xi32, #tpu.memory_space<vmem>>) semaphore(%arg7 : memref<!tpu.dma_semaphore, #tpu.memory_space<semaphore_mem>>)
    %dma_start3A_147 = arith.constant 512 : i32
    %dma_start3A_148 = arith.constant 0 : i32
    %dma_start3A_149 = tpu.memref_slice %arg6[%dma_start3A_147, %dma_start3A_148] : memref<800x128xf32, #tpu.memory_space<vmem>> -> memref<128x128xf32, #tpu.memory_space<vmem>>
    %dma_start3A_150 = arith.constant 1312 : i32
    %dma_start3A_151 = tpu.memref_slice %arg5[%dma_start3A_150] : memref<1600xi32, #tpu.memory_space<vmem>> -> memref<128xi32, #tpu.memory_space<vmem>>
    %dma_start3A_152 = arith.constant 0 : i32
    %dma_start3A_153 = arith.constant 0 : i32
    %dma_start3A_154 = tpu.memref_slice %arg2[%dma_start3A_152, %dma_start3A_153] : memref<100000x128xf32, #tpu.memory_space<hbm>> -> memref<100000x128xf32, #tpu.memory_space<hbm>>
    tpu.enqueue_indirect_dma source(%dma_start3A_154 : memref<100000x128xf32, #tpu.memory_space<hbm>>) target(%dma_start3A_149 : memref<128x128xf32, #tpu.memory_space<vmem>>) offsets(%dma_start3A_151 : memref<128xi32, #tpu.memory_space<vmem>>) semaphore(%arg7 : memref<!tpu.dma_semaphore, #tpu.memory_space<semaphore_mem>>)
    %dma_start3A_155 = arith.constant 640 : i32
    %dma_start3A_156 = arith.constant 0 : i32
    %dma_start3A_157 = tpu.memref_slice %arg6[%dma_start3A_155, %dma_start3A_156] : memref<800x128xf32, #tpu.memory_space<vmem>> -> memref<128x128xf32, #tpu.memory_space<vmem>>
    %dma_start3A_158 = arith.constant 1440 : i32
    %dma_start3A_159 = tpu.memref_slice %arg5[%dma_start3A_158] : memref<1600xi32, #tpu.memory_space<vmem>> -> memref<128xi32, #tpu.memory_space<vmem>>
    %dma_start3A_160 = arith.constant 0 : i32
    %dma_start3A_161 = arith.constant 0 : i32
    %dma_start3A_162 = tpu.memref_slice %arg2[%dma_start3A_160, %dma_start3A_161] : memref<100000x128xf32, #tpu.memory_space<hbm>> -> memref<100000x128xf32, #tpu.memory_space<hbm>>
    tpu.enqueue_indirect_dma source(%dma_start3A_162 : memref<100000x128xf32, #tpu.memory_space<hbm>>) target(%dma_start3A_157 : memref<128x128xf32, #tpu.memory_space<vmem>>) offsets(%dma_start3A_159 : memref<128xi32, #tpu.memory_space<vmem>>) semaphore(%arg7 : memref<!tpu.dma_semaphore, #tpu.memory_space<semaphore_mem>>)
    %dma_start3A_163 = arith.constant 768 : i32
    %dma_start3A_164 = arith.constant 0 : i32
    %dma_start3A_165 = tpu.memref_slice %arg6[%dma_start3A_163, %dma_start3A_164] : memref<800x128xf32, #tpu.memory_space<vmem>> -> memref<32x128xf32, #tpu.memory_space<vmem>>
    %dma_start3A_166 = arith.constant 1568 : i32
    %dma_start3A_167 = tpu.memref_slice %arg5[%dma_start3A_166] : memref<1600xi32, #tpu.memory_space<vmem>> -> memref<32xi32, #tpu.memory_space<vmem>>
    %dma_start3A_168 = arith.constant 0 : i32
    %dma_start3A_169 = arith.constant 0 : i32
    %dma_start3A_170 = tpu.memref_slice %arg2[%dma_start3A_168, %dma_start3A_169] : memref<100000x128xf32, #tpu.memory_space<hbm>> -> memref<100000x128xf32, #tpu.memory_space<hbm>>
    tpu.enqueue_indirect_dma source(%dma_start3A_170 : memref<100000x128xf32, #tpu.memory_space<hbm>>) target(%dma_start3A_165 : memref<32x128xf32, #tpu.memory_space<vmem>>) offsets(%dma_start3A_167 : memref<32xi32, #tpu.memory_space<vmem>>) semaphore(%arg7 : memref<!tpu.dma_semaphore, #tpu.memory_space<semaphore_mem>>)
    %dma_wait3A_171 = arith.constant 0 : i32
    %dma_wait3A_172 = arith.constant 0 : i32
    %dma_wait3A_173 = tpu.memref_slice %arg6[%dma_wait3A_171, %dma_wait3A_172] : memref<800x128xf32, #tpu.memory_space<vmem>> -> memref<128x128xf32, #tpu.memory_space<vmem>>
    %dma_wait3A_174 = arith.constant 800 : i32
    %dma_wait3A_175 = tpu.memref_slice %arg5[%dma_wait3A_174] : memref<1600xi32, #tpu.memory_space<vmem>> -> memref<128xi32, #tpu.memory_space<vmem>>
    %dma_wait3A_176 = arith.constant 0 : i32
    %dma_wait3A_177 = arith.constant 0 : i32
    %dma_wait3A_178 = tpu.memref_slice %arg2[%dma_wait3A_176, %dma_wait3A_177] : memref<100000x128xf32, #tpu.memory_space<hbm>> -> memref<100000x128xf32, #tpu.memory_space<hbm>>
    tpu.wait_indirect_dma semaphore(%arg7 : memref<!tpu.dma_semaphore, #tpu.memory_space<semaphore_mem>>) src(%dma_wait3A_178 : memref<100000x128xf32, #tpu.memory_space<hbm>>) dst(%dma_wait3A_173 : memref<128x128xf32, #tpu.memory_space<vmem>>)
    %dma_wait3A_179 = arith.constant 128 : i32
    %dma_wait3A_180 = arith.constant 0 : i32
    %dma_wait3A_181 = tpu.memref_slice %arg6[%dma_wait3A_179, %dma_wait3A_180] : memref<800x128xf32, #tpu.memory_space<vmem>> -> memref<128x128xf32, #tpu.memory_space<vmem>>
    %dma_wait3A_182 = arith.constant 928 : i32
    %dma_wait3A_183 = tpu.memref_slice %arg5[%dma_wait3A_182] : memref<1600xi32, #tpu.memory_space<vmem>> -> memref<128xi32, #tpu.memory_space<vmem>>
    %dma_wait3A_184 = arith.constant 0 : i32
    %dma_wait3A_185 = arith.constant 0 : i32
    %dma_wait3A_186 = tpu.memref_slice %arg2[%dma_wait3A_184, %dma_wait3A_185] : memref<100000x128xf32, #tpu.memory_space<hbm>> -> memref<100000x128xf32, #tpu.memory_space<hbm>>
    tpu.wait_indirect_dma semaphore(%arg7 : memref<!tpu.dma_semaphore, #tpu.memory_space<semaphore_mem>>) src(%dma_wait3A_186 : memref<100000x128xf32, #tpu.memory_space<hbm>>) dst(%dma_wait3A_181 : memref<128x128xf32, #tpu.memory_space<vmem>>)
    %dma_wait3A_187 = arith.constant 256 : i32
    %dma_wait3A_188 = arith.constant 0 : i32
    %dma_wait3A_189 = tpu.memref_slice %arg6[%dma_wait3A_187, %dma_wait3A_188] : memref<800x128xf32, #tpu.memory_space<vmem>> -> memref<128x128xf32, #tpu.memory_space<vmem>>
    %dma_wait3A_190 = arith.constant 1056 : i32
    %dma_wait3A_191 = tpu.memref_slice %arg5[%dma_wait3A_190] : memref<1600xi32, #tpu.memory_space<vmem>> -> memref<128xi32, #tpu.memory_space<vmem>>
    %dma_wait3A_192 = arith.constant 0 : i32
    %dma_wait3A_193 = arith.constant 0 : i32
    %dma_wait3A_194 = tpu.memref_slice %arg2[%dma_wait3A_192, %dma_wait3A_193] : memref<100000x128xf32, #tpu.memory_space<hbm>> -> memref<100000x128xf32, #tpu.memory_space<hbm>>
    tpu.wait_indirect_dma semaphore(%arg7 : memref<!tpu.dma_semaphore, #tpu.memory_space<semaphore_mem>>) src(%dma_wait3A_194 : memref<100000x128xf32, #tpu.memory_space<hbm>>) dst(%dma_wait3A_189 : memref<128x128xf32, #tpu.memory_space<vmem>>)
    %dma_wait3A_195 = arith.constant 384 : i32
    %dma_wait3A_196 = arith.constant 0 : i32
    %dma_wait3A_197 = tpu.memref_slice %arg6[%dma_wait3A_195, %dma_wait3A_196] : memref<800x128xf32, #tpu.memory_space<vmem>> -> memref<128x128xf32, #tpu.memory_space<vmem>>
    %dma_wait3A_198 = arith.constant 1184 : i32
    %dma_wait3A_199 = tpu.memref_slice %arg5[%dma_wait3A_198] : memref<1600xi32, #tpu.memory_space<vmem>> -> memref<128xi32, #tpu.memory_space<vmem>>
    %dma_wait3A_200 = arith.constant 0 : i32
    %dma_wait3A_201 = arith.constant 0 : i32
    %dma_wait3A_202 = tpu.memref_slice %arg2[%dma_wait3A_200, %dma_wait3A_201] : memref<100000x128xf32, #tpu.memory_space<hbm>> -> memref<100000x128xf32, #tpu.memory_space<hbm>>
    tpu.wait_indirect_dma semaphore(%arg7 : memref<!tpu.dma_semaphore, #tpu.memory_space<semaphore_mem>>) src(%dma_wait3A_202 : memref<100000x128xf32, #tpu.memory_space<hbm>>) dst(%dma_wait3A_197 : memref<128x128xf32, #tpu.memory_space<vmem>>)
    %dma_wait3A_203 = arith.constant 512 : i32
    %dma_wait3A_204 = arith.constant 0 : i32
    %dma_wait3A_205 = tpu.memref_slice %arg6[%dma_wait3A_203, %dma_wait3A_204] : memref<800x128xf32, #tpu.memory_space<vmem>> -> memref<128x128xf32, #tpu.memory_space<vmem>>
    %dma_wait3A_206 = arith.constant 1312 : i32
    %dma_wait3A_207 = tpu.memref_slice %arg5[%dma_wait3A_206] : memref<1600xi32, #tpu.memory_space<vmem>> -> memref<128xi32, #tpu.memory_space<vmem>>
    %dma_wait3A_208 = arith.constant 0 : i32
    %dma_wait3A_209 = arith.constant 0 : i32
    %dma_wait3A_210 = tpu.memref_slice %arg2[%dma_wait3A_208, %dma_wait3A_209] : memref<100000x128xf32, #tpu.memory_space<hbm>> -> memref<100000x128xf32, #tpu.memory_space<hbm>>
    tpu.wait_indirect_dma semaphore(%arg7 : memref<!tpu.dma_semaphore, #tpu.memory_space<semaphore_mem>>) src(%dma_wait3A_210 : memref<100000x128xf32, #tpu.memory_space<hbm>>) dst(%dma_wait3A_205 : memref<128x128xf32, #tpu.memory_space<vmem>>)
    %dma_wait3A_211 = arith.constant 640 : i32
    %dma_wait3A_212 = arith.constant 0 : i32
    %dma_wait3A_213 = tpu.memref_slice %arg6[%dma_wait3A_211, %dma_wait3A_212] : memref<800x128xf32, #tpu.memory_space<vmem>> -> memref<128x128xf32, #tpu.memory_space<vmem>>
    %dma_wait3A_214 = arith.constant 1440 : i32
    %dma_wait3A_215 = tpu.memref_slice %arg5[%dma_wait3A_214] : memref<1600xi32, #tpu.memory_space<vmem>> -> memref<128xi32, #tpu.memory_space<vmem>>
    %dma_wait3A_216 = arith.constant 0 : i32
    %dma_wait3A_217 = arith.constant 0 : i32
    %dma_wait3A_218 = tpu.memref_slice %arg2[%dma_wait3A_216, %dma_wait3A_217] : memref<100000x128xf32, #tpu.memory_space<hbm>> -> memref<100000x128xf32, #tpu.memory_space<hbm>>
    tpu.wait_indirect_dma semaphore(%arg7 : memref<!tpu.dma_semaphore, #tpu.memory_space<semaphore_mem>>) src(%dma_wait3A_218 : memref<100000x128xf32, #tpu.memory_space<hbm>>) dst(%dma_wait3A_213 : memref<128x128xf32, #tpu.memory_space<vmem>>)
    %dma_wait3A_219 = arith.constant 768 : i32
    %dma_wait3A_220 = arith.constant 0 : i32
    %dma_wait3A_221 = tpu.memref_slice %arg6[%dma_wait3A_219, %dma_wait3A_220] : memref<800x128xf32, #tpu.memory_space<vmem>> -> memref<32x128xf32, #tpu.memory_space<vmem>>
    %dma_wait3A_222 = arith.constant 1568 : i32
    %dma_wait3A_223 = tpu.memref_slice %arg5[%dma_wait3A_222] : memref<1600xi32, #tpu.memory_space<vmem>> -> memref<32xi32, #tpu.memory_space<vmem>>
    %dma_wait3A_224 = arith.constant 0 : i32
    %dma_wait3A_225 = arith.constant 0 : i32
    %dma_wait3A_226 = tpu.memref_slice %arg2[%dma_wait3A_224, %dma_wait3A_225] : memref<100000x128xf32, #tpu.memory_space<hbm>> -> memref<100000x128xf32, #tpu.memory_space<hbm>>
    tpu.wait_indirect_dma semaphore(%arg7 : memref<!tpu.dma_semaphore, #tpu.memory_space<semaphore_mem>>) src(%dma_wait3A_226 : memref<100000x128xf32, #tpu.memory_space<hbm>>) dst(%dma_wait3A_221 : memref<32x128xf32, #tpu.memory_space<vmem>>)
    %add3A_227 = arith.constant 800 : i32
    %add3A_228 = arith.addi %mul3A_2, %add3A_227 : i32
    "tpu.region"() ({
      %run_scoped3A = tpu.sem_alloc : memref<!tpu.dma_semaphore, #tpu.memory_space<semaphore_mem>>
      %dma_start3A_229 = arith.constant 0 : i32
      %dma_start3A_230 = tpu.memref_slice %arg4[%add3A_228, %dma_start3A_229] : memref<51200x128xf32, #tpu.memory_space<hbm>> -> memref<800x128xf32, #tpu.memory_space<hbm>>
      %dma_start3A_231 = arith.constant 0 : i32
      %dma_start3A_232 = tpu.memref_slice %arg4[%add3A_228, %dma_start3A_231] : memref<51200x128xf32, #tpu.memory_space<hbm>> -> memref<800x128xf32, #tpu.memory_space<hbm>>
      tpu.enqueue_dma source(%arg6 : memref<800x128xf32, #tpu.memory_space<vmem>>) target(%dma_start3A_232 : memref<800x128xf32, #tpu.memory_space<hbm>>) target_semaphore(%run_scoped3A : memref<!tpu.dma_semaphore, #tpu.memory_space<semaphore_mem>>)
      %dma_wait3A_233 = arith.constant 0 : i32
      %dma_wait3A_234 = tpu.memref_slice %arg4[%add3A_228, %dma_wait3A_233] : memref<51200x128xf32, #tpu.memory_space<hbm>> -> memref<800x128xf32, #tpu.memory_space<hbm>>
      %dma_wait3A_235 = arith.constant 0 : i32
      %dma_wait3A_236 = tpu.memref_slice %arg4[%add3A_228, %dma_wait3A_235] : memref<51200x128xf32, #tpu.memory_space<hbm>> -> memref<800x128xf32, #tpu.memory_space<hbm>>
      tpu.wait_dma2 semaphore(%run_scoped3A : memref<!tpu.dma_semaphore, #tpu.memory_space<semaphore_mem>>) src(%arg6 : memref<800x128xf32, #tpu.memory_space<vmem>>) dst(%dma_wait3A_236 : memref<800x128xf32, #tpu.memory_space<hbm>>)
      tpu.yield
    }) : () -> ()
    return
  }
}

module attributes {stable_mosaic.version = 14 : i64} {
  func.func @_tr_body(%arg0: i32, %arg1: memref<64x8192xf32, #tpu.memory_space<vmem>>, %arg2: memref<8192x128xf32, #tpu.memory_space<vmem>>) attributes {dimension_semantics = [#tpu.dimension_semantics<arbitrary>], iteration_bounds = array<i64: 13>, scalar_prefetch = 0 : i64, scratch_operands = 0 : i64, tpu.core_type = #tpu.core_type<tc>, window_params = [{transform_indices = @transform_0, window_bounds = array<i64: 64, 8192>}, {transform_indices = @transform_1, window_bounds = array<i64: 8192, 128>}]} {
    %get3A = arith.constant 0 : index
    %get3A_0 = arith.constant 0 : index
    %get3A_1 = vector.load %arg1[%get3A, %get3A_0] : memref<64x8192xf32, #tpu.memory_space<vmem>>, vector<64x8192xf32>
    %transpose3A = tpu.transpose %get3A_1, [1, 0] : vector<64x8192xf32> -> vector<8192x64xf32>
    %swap3A = arith.constant 0 : index
    %swap3A_2 = arith.constant 0 : index
    %swap3A_3 = vector.load %arg2[%swap3A, %swap3A_2] : memref<8192x128xf32, #tpu.memory_space<vmem>>, vector<8192x64xf32>
    tpu.vector_store %arg2[%swap3A, %swap3A_2], %transpose3A {strides = array<i32>} : memref<8192x128xf32, #tpu.memory_space<vmem>>, vector<8192x64xf32>,
    return
  }
  func.func @transform_0(%arg0: i32) -> (i32, i32) {
    %c0_i32 = arith.constant 0 : i32
    %c0_i32_0 = arith.constant 0 : i32
    return %c0_i32, %arg0 : i32, i32
  }
  func.func @transform_1(%arg0: i32) -> (i32, i32) {
    %c0_i32 = arith.constant 0 : i32
    %c0_i32_0 = arith.constant 0 : i32
    return %arg0, %c0_i32 : i32, i32
  }
}

module attributes {stable_mosaic.version = 14 : i64} {
  func.func @_gru_body(%arg0: i32, %arg1: memref<10x1024x128xf32, #tpu.memory_space<vmem>>, %arg2: memref<64x192xf32, #tpu.memory_space<vmem>>, %arg3: memref<64x192xf32, #tpu.memory_space<vmem>>, %arg4: memref<192x2xf32, #tpu.memory_space<vmem>>, %arg5: memref<10x64x1024xf32, #tpu.memory_space<vmem>>, %arg6: memref<64x1024xf32, #tpu.memory_space<vmem>>, %arg7: memref<10x64x1024xf32, #tpu.memory_space<vmem>>, %arg8: memref<64x1024xf32, #tpu.memory_space<vmem>>) attributes {dimension_semantics = [#tpu.dimension_semantics<arbitrary>], iteration_bounds = array<i64: 5>, scalar_prefetch = 0 : i64, scratch_operands = 1 : i64, tpu.core_type = #tpu.core_type<tc>, window_params = [{transform_indices = @transform_0, window_bounds = array<i64: 10, 1024, 128>}, {pipeline_mode = #tpu.pipeline_mode<synchronous>, transform_indices = @transform_1, window_bounds = array<i64: 64, 192>}, {pipeline_mode = #tpu.pipeline_mode<synchronous>, transform_indices = @transform_2, window_bounds = array<i64: 64, 192>}, {pipeline_mode = #tpu.pipeline_mode<synchronous>, transform_indices = @transform_3, window_bounds = array<i64: 192, 2>}, {transform_indices = @transform_4, window_bounds = array<i64: 10, 64, 1024>}, {pipeline_mode = #tpu.pipeline_mode<synchronous>, transform_indices = @transform_5, window_bounds = array<i64: 64, 1024>}, {transform_indices = @transform_6, window_bounds = array<i64: 10, 64, 1024>}]} {
    %eq3A = arith.constant 0 : i32
    %eq3A_0 = arith.cmpi eq, %arg0, %eq3A : i32
    %convert_element_type3A = arith.extui %eq3A_0 : i1 to i32
    %cond3A = arith.constant 0 : i32
    %cond3A_1 = arith.cmpi ne, %convert_element_type3A, %cond3A : i32
    scf.if %cond3A_1 {
      %broadcast_in_dim3A = arith.constant 0.000000e+00 : f32
      %broadcast_in_dim3A_575 = vector.broadcast %broadcast_in_dim3A : f32 to vector<64x1024xf32>
      %swap3A_576 = arith.constant 0 : index
      %swap3A_577 = arith.constant 0 : index
      %swap3A_578 = vector.load %arg8[%swap3A_576, %swap3A_577] : memref<64x1024xf32, #tpu.memory_space<vmem>>, vector<64x1024xf32>
      tpu.vector_store %arg8[%swap3A_576, %swap3A_577], %broadcast_in_dim3A_575 {strides = array<i32>} : memref<64x1024xf32, #tpu.memory_space<vmem>>, vector<64x1024xf32>,
    } else {
    }
    %get3A = arith.constant 0 : index
    %get3A_2 = arith.constant 0 : index
    %get3A_3 = vector.load %arg2[%get3A, %get3A_2] : memref<64x192xf32, #tpu.memory_space<vmem>>, vector<64x192xf32>
    %get3A_4 = arith.constant 0 : index
    %get3A_5 = arith.constant 0 : index
    %get3A_6 = vector.load %arg3[%get3A_4, %get3A_5] : memref<64x192xf32, #tpu.memory_space<vmem>>, vector<64x192xf32>
    %get3A_7 = arith.constant 0 : index
    %get3A_8 = arith.constant 0 : index
    %get3A_9 = vector.load %arg4[%get3A_7, %get3A_8] : memref<192x2xf32, #tpu.memory_space<vmem>>, vector<192x1xf32>
    %get3A_10 = arith.constant 0 : index
    %get3A_11 = arith.constant 1 : index
    %get3A_12 = vector.load %arg4[%get3A_10, %get3A_11] : memref<192x2xf32, #tpu.memory_space<vmem>>, vector<192x1xf32>
    %get3A_13 = arith.constant 0 : index
    %get3A_14 = arith.constant 0 : index
    %get3A_15 = vector.load %arg8[%get3A_13, %get3A_14] : memref<64x1024xf32, #tpu.memory_space<vmem>>, vector<64x1024xf32>
    %get3A_16 = arith.constant 0 : index
    %get3A_17 = arith.constant 0 : index
    %get3A_18 = arith.constant 0 : index
    %get3A_19 = vector.load %arg1[%get3A_16, %get3A_17, %get3A_18] : memref<10x1024x128xf32, #tpu.memory_space<vmem>>, vector<1x1024x128xf32>
    %get3A_20 = vector.shape_cast %get3A_19 : vector<1x1024x128xf32> to vector<1024x128xf32>
    %transpose3A = tpu.transpose %get3A_20, [1, 0] : vector<1024x128xf32> -> vector<128x1024xf32>
    %slice3A = vector.extract_strided_slice %transpose3A {offsets = [0, 0], sizes = [64, 1024], strides = [1, 1]} : vector<128x1024xf32> to vector<64x1024xf32>
    %dot_general3A = arith.constant dense<0.000000e+00> : vector<192x1024xf32>
    %dot_general3A_21 = tpu.matmul %get3A_3, %slice3A, %dot_general3A {dimension_numbers = #tpu.dot_dimension_numbers<[0], [0], [1], [1], [0, 1, 1, 1], [], []>, transpose_lhs_hint = false} : vector<64x192xf32>, vector<64x1024xf32>, vector<192x1024xf32> -> vector<192x1024xf32>
    %add3A = vector.broadcast %get3A_9 : vector<192x1xf32> to vector<192x1024xf32>
    %add3A_22 = arith.addf %dot_general3A_21, %add3A : vector<192x1024xf32>
    %dot_general3A_23 = arith.constant dense<0.000000e+00> : vector<192x1024xf32>
    %dot_general3A_24 = tpu.matmul %get3A_6, %get3A_15, %dot_general3A_23 {dimension_numbers = #tpu.dot_dimension_numbers<[0], [0], [1], [1], [0, 1, 1, 1], [], []>, transpose_lhs_hint = false} : vector<64x192xf32>, vector<64x1024xf32>, vector<192x1024xf32> -> vector<192x1024xf32>
    %add3A_25 = vector.broadcast %get3A_12 : vector<192x1xf32> to vector<192x1024xf32>
    %add3A_26 = arith.addf %dot_general3A_24, %add3A_25 : vector<192x1024xf32>
    %slice3A_27 = vector.extract_strided_slice %add3A_22 {offsets = [0, 0], sizes = [64, 1024], strides = [1, 1]} : vector<192x1024xf32> to vector<64x1024xf32>
    %slice3A_28 = vector.extract_strided_slice %add3A_26 {offsets = [0, 0], sizes = [64, 1024], strides = [1, 1]} : vector<192x1024xf32> to vector<64x1024xf32>
    %add3A_29 = arith.addf %slice3A_27, %slice3A_28 : vector<64x1024xf32>
    %logistic3A = arith.negf %add3A_29 : vector<64x1024xf32>
    %logistic3A_30 = math.exp %logistic3A : vector<64x1024xf32>
    %logistic3A_31 = arith.constant 1.000000e+00 : f32
    %logistic3A_32 = vector.broadcast %logistic3A_31 : f32 to vector<64x1024xf32>
    %logistic3A_33 = arith.addf %logistic3A_32, %logistic3A_30 : vector<64x1024xf32>
    %logistic3A_34 = arith.divf %logistic3A_32, %logistic3A_33 : vector<64x1024xf32>
    %slice3A_35 = vector.extract_strided_slice %add3A_22 {offsets = [64, 0], sizes = [64, 1024], strides = [1, 1]} : vector<192x1024xf32> to vector<64x1024xf32>
    %slice3A_36 = vector.extract_strided_slice %add3A_26 {offsets = [64, 0], sizes = [64, 1024], strides = [1, 1]} : vector<192x1024xf32> to vector<64x1024xf32>
    %add3A_37 = arith.addf %slice3A_35, %slice3A_36 : vector<64x1024xf32>
    %logistic3A_38 = arith.negf %add3A_37 : vector<64x1024xf32>
    %logistic3A_39 = math.exp %logistic3A_38 : vector<64x1024xf32>
    %logistic3A_40 = arith.constant 1.000000e+00 : f32
    %logistic3A_41 = vector.broadcast %logistic3A_40 : f32 to vector<64x1024xf32>
    %logistic3A_42 = arith.addf %logistic3A_41, %logistic3A_39 : vector<64x1024xf32>
    %logistic3A_43 = arith.divf %logistic3A_41, %logistic3A_42 : vector<64x1024xf32>
    %slice3A_44 = vector.extract_strided_slice %add3A_22 {offsets = [128, 0], sizes = [64, 1024], strides = [1, 1]} : vector<192x1024xf32> to vector<64x1024xf32>
    %slice3A_45 = vector.extract_strided_slice %add3A_26 {offsets = [128, 0], sizes = [64, 1024], strides = [1, 1]} : vector<192x1024xf32> to vector<64x1024xf32>
    %mul3A = arith.mulf %logistic3A_43, %slice3A_45 : vector<64x1024xf32>
    %add3A_46 = arith.addf %slice3A_44, %mul3A : vector<64x1024xf32>
    %tanh3A = math.tanh %add3A_46 : vector<64x1024xf32>
    %mul3A_47 = arith.mulf %logistic3A_34, %get3A_15 : vector<64x1024xf32>
    %sub3A = arith.constant 1.000000e+00 : f32
    %sub3A_48 = vector.broadcast %sub3A : f32 to vector<64x1024xf32>
    %sub3A_49 = arith.subf %sub3A_48, %logistic3A_34 : vector<64x1024xf32>
    %mul3A_50 = arith.mulf %sub3A_49, %tanh3A : vector<64x1024xf32>
    %add3A_51 = arith.addf %mul3A_47, %mul3A_50 : vector<64x1024xf32>
    %swap3A = arith.constant 0 : index
    %swap3A_52 = arith.constant 0 : index
    %swap3A_53 = arith.constant 0 : index
    %swap3A_54 = vector.load %arg5[%swap3A, %swap3A_52, %swap3A_53] : memref<10x64x1024xf32, #tpu.memory_space<vmem>>, vector<1x64x1024xf32>
    %swap3A_55 = vector.shape_cast %swap3A_54 : vector<1x64x1024xf32> to vector<64x1024xf32>
    %swap3A_56 = vector.shape_cast %add3A_51 : vector<64x1024xf32> to vector<1x64x1024xf32>
    tpu.vector_store %arg5[%swap3A, %swap3A_52, %swap3A_53], %swap3A_56 {strides = array<i32>} : memref<10x64x1024xf32, #tpu.memory_space<vmem>>, vector<1x64x1024xf32>,
    %swap3A_57 = arith.constant 0 : index
    %swap3A_58 = arith.constant 0 : index
    %swap3A_59 = arith.constant 0 : index
    %swap3A_60 = vector.load %arg7[%swap3A_57, %swap3A_58, %swap3A_59] : memref<10x64x1024xf32, #tpu.memory_space<vmem>>, vector<1x64x1024xf32>
    %swap3A_61 = vector.shape_cast %swap3A_60 : vector<1x64x1024xf32> to vector<64x1024xf32>
    %swap3A_62 = vector.shape_cast %slice3A : vector<64x1024xf32> to vector<1x64x1024xf32>
    tpu.vector_store %arg7[%swap3A_57, %swap3A_58, %swap3A_59], %swap3A_62 {strides = array<i32>} : memref<10x64x1024xf32, #tpu.memory_space<vmem>>, vector<1x64x1024xf32>,
    %get3A_63 = arith.constant 1 : index
    %get3A_64 = arith.constant 0 : index
    %get3A_65 = arith.constant 0 : index
    %get3A_66 = vector.load %arg1[%get3A_63, %get3A_64, %get3A_65] : memref<10x1024x128xf32, #tpu.memory_space<vmem>>, vector<1x1024x128xf32>
    %get3A_67 = vector.shape_cast %get3A_66 : vector<1x1024x128xf32> to vector<1024x128xf32>
    %transpose3A_68 = tpu.transpose %get3A_67, [1, 0] : vector<1024x128xf32> -> vector<128x1024xf32>
    %slice3A_69 = vector.extract_strided_slice %transpose3A_68 {offsets = [0, 0], sizes = [64, 1024], strides = [1, 1]} : vector<128x1024xf32> to vector<64x1024xf32>
    %dot_general3A_70 = arith.constant dense<0.000000e+00> : vector<192x1024xf32>
    %dot_general3A_71 = tpu.matmul %get3A_3, %slice3A_69, %dot_general3A_70 {dimension_numbers = #tpu.dot_dimension_numbers<[0], [0], [1], [1], [0, 1, 1, 1], [], []>, transpose_lhs_hint = false} : vector<64x192xf32>, vector<64x1024xf32>, vector<192x1024xf32> -> vector<192x1024xf32>
    %add3A_72 = vector.broadcast %get3A_9 : vector<192x1xf32> to vector<192x1024xf32>
    %add3A_73 = arith.addf %dot_general3A_71, %add3A_72 : vector<192x1024xf32>
    %dot_general3A_74 = arith.constant dense<0.000000e+00> : vector<192x1024xf32>
    %dot_general3A_75 = tpu.matmul %get3A_6, %add3A_51, %dot_general3A_74 {dimension_numbers = #tpu.dot_dimension_numbers<[0], [0], [1], [1], [0, 1, 1, 1], [], []>, transpose_lhs_hint = false} : vector<64x192xf32>, vector<64x1024xf32>, vector<192x1024xf32> -> vector<192x1024xf32>
    %add3A_76 = vector.broadcast %get3A_12 : vector<192x1xf32> to vector<192x1024xf32>
    %add3A_77 = arith.addf %dot_general3A_75, %add3A_76 : vector<192x1024xf32>
    %slice3A_78 = vector.extract_strided_slice %add3A_73 {offsets = [0, 0], sizes = [64, 1024], strides = [1, 1]} : vector<192x1024xf32> to vector<64x1024xf32>
    %slice3A_79 = vector.extract_strided_slice %add3A_77 {offsets = [0, 0], sizes = [64, 1024], strides = [1, 1]} : vector<192x1024xf32> to vector<64x1024xf32>
    %add3A_80 = arith.addf %slice3A_78, %slice3A_79 : vector<64x1024xf32>
    %logistic3A_81 = arith.negf %add3A_80 : vector<64x1024xf32>
    %logistic3A_82 = math.exp %logistic3A_81 : vector<64x1024xf32>
    %logistic3A_83 = arith.constant 1.000000e+00 : f32
    %logistic3A_84 = vector.broadcast %logistic3A_83 : f32 to vector<64x1024xf32>
    %logistic3A_85 = arith.addf %logistic3A_84, %logistic3A_82 : vector<64x1024xf32>
    %logistic3A_86 = arith.divf %logistic3A_84, %logistic3A_85 : vector<64x1024xf32>
    %slice3A_87 = vector.extract_strided_slice %add3A_73 {offsets = [64, 0], sizes = [64, 1024], strides = [1, 1]} : vector<192x1024xf32> to vector<64x1024xf32>
    %slice3A_88 = vector.extract_strided_slice %add3A_77 {offsets = [64, 0], sizes = [64, 1024], strides = [1, 1]} : vector<192x1024xf32> to vector<64x1024xf32>
    %add3A_89 = arith.addf %slice3A_87, %slice3A_88 : vector<64x1024xf32>
    %logistic3A_90 = arith.negf %add3A_89 : vector<64x1024xf32>
    %logistic3A_91 = math.exp %logistic3A_90 : vector<64x1024xf32>
    %logistic3A_92 = arith.constant 1.000000e+00 : f32
    %logistic3A_93 = vector.broadcast %logistic3A_92 : f32 to vector<64x1024xf32>
    %logistic3A_94 = arith.addf %logistic3A_93, %logistic3A_91 : vector<64x1024xf32>
    %logistic3A_95 = arith.divf %logistic3A_93, %logistic3A_94 : vector<64x1024xf32>
    %slice3A_96 = vector.extract_strided_slice %add3A_73 {offsets = [128, 0], sizes = [64, 1024], strides = [1, 1]} : vector<192x1024xf32> to vector<64x1024xf32>
    %slice3A_97 = vector.extract_strided_slice %add3A_77 {offsets = [128, 0], sizes = [64, 1024], strides = [1, 1]} : vector<192x1024xf32> to vector<64x1024xf32>
    %mul3A_98 = arith.mulf %logistic3A_95, %slice3A_97 : vector<64x1024xf32>
    %add3A_99 = arith.addf %slice3A_96, %mul3A_98 : vector<64x1024xf32>
    %tanh3A_100 = math.tanh %add3A_99 : vector<64x1024xf32>
    %mul3A_101 = arith.mulf %logistic3A_86, %add3A_51 : vector<64x1024xf32>
    %sub3A_102 = arith.constant 1.000000e+00 : f32
    %sub3A_103 = vector.broadcast %sub3A_102 : f32 to vector<64x1024xf32>
    %sub3A_104 = arith.subf %sub3A_103, %logistic3A_86 : vector<64x1024xf32>
    %mul3A_105 = arith.mulf %sub3A_104, %tanh3A_100 : vector<64x1024xf32>
    %add3A_106 = arith.addf %mul3A_101, %mul3A_105 : vector<64x1024xf32>
    %swap3A_107 = arith.constant 1 : index
    %swap3A_108 = arith.constant 0 : index
    %swap3A_109 = arith.constant 0 : index
    %swap3A_110 = vector.load %arg5[%swap3A_107, %swap3A_108, %swap3A_109] : memref<10x64x1024xf32, #tpu.memory_space<vmem>>, vector<1x64x1024xf32>
    %swap3A_111 = vector.shape_cast %swap3A_110 : vector<1x64x1024xf32> to vector<64x1024xf32>
    %swap3A_112 = vector.shape_cast %add3A_106 : vector<64x1024xf32> to vector<1x64x1024xf32>
    tpu.vector_store %arg5[%swap3A_107, %swap3A_108, %swap3A_109], %swap3A_112 {strides = array<i32>} : memref<10x64x1024xf32, #tpu.memory_space<vmem>>, vector<1x64x1024xf32>,
    %swap3A_113 = arith.constant 1 : index
    %swap3A_114 = arith.constant 0 : index
    %swap3A_115 = arith.constant 0 : index
    %swap3A_116 = vector.load %arg7[%swap3A_113, %swap3A_114, %swap3A_115] : memref<10x64x1024xf32, #tpu.memory_space<vmem>>, vector<1x64x1024xf32>
    %swap3A_117 = vector.shape_cast %swap3A_116 : vector<1x64x1024xf32> to vector<64x1024xf32>
    %swap3A_118 = vector.shape_cast %slice3A_69 : vector<64x1024xf32> to vector<1x64x1024xf32>
    tpu.vector_store %arg7[%swap3A_113, %swap3A_114, %swap3A_115], %swap3A_118 {strides = array<i32>} : memref<10x64x1024xf32, #tpu.memory_space<vmem>>, vector<1x64x1024xf32>,
    %get3A_119 = arith.constant 2 : index
    %get3A_120 = arith.constant 0 : index
    %get3A_121 = arith.constant 0 : index
    %get3A_122 = vector.load %arg1[%get3A_119, %get3A_120, %get3A_121] : memref<10x1024x128xf32, #tpu.memory_space<vmem>>, vector<1x1024x128xf32>
    %get3A_123 = vector.shape_cast %get3A_122 : vector<1x1024x128xf32> to vector<1024x128xf32>
    %transpose3A_124 = tpu.transpose %get3A_123, [1, 0] : vector<1024x128xf32> -> vector<128x1024xf32>
    %slice3A_125 = vector.extract_strided_slice %transpose3A_124 {offsets = [0, 0], sizes = [64, 1024], strides = [1, 1]} : vector<128x1024xf32> to vector<64x1024xf32>
    %dot_general3A_126 = arith.constant dense<0.000000e+00> : vector<192x1024xf32>
    %dot_general3A_127 = tpu.matmul %get3A_3, %slice3A_125, %dot_general3A_126 {dimension_numbers = #tpu.dot_dimension_numbers<[0], [0], [1], [1], [0, 1, 1, 1], [], []>, transpose_lhs_hint = false} : vector<64x192xf32>, vector<64x1024xf32>, vector<192x1024xf32> -> vector<192x1024xf32>
    %add3A_128 = vector.broadcast %get3A_9 : vector<192x1xf32> to vector<192x1024xf32>
    %add3A_129 = arith.addf %dot_general3A_127, %add3A_128 : vector<192x1024xf32>
    %dot_general3A_130 = arith.constant dense<0.000000e+00> : vector<192x1024xf32>
    %dot_general3A_131 = tpu.matmul %get3A_6, %add3A_106, %dot_general3A_130 {dimension_numbers = #tpu.dot_dimension_numbers<[0], [0], [1], [1], [0, 1, 1, 1], [], []>, transpose_lhs_hint = false} : vector<64x192xf32>, vector<64x1024xf32>, vector<192x1024xf32> -> vector<192x1024xf32>
    %add3A_132 = vector.broadcast %get3A_12 : vector<192x1xf32> to vector<192x1024xf32>
    %add3A_133 = arith.addf %dot_general3A_131, %add3A_132 : vector<192x1024xf32>
    %slice3A_134 = vector.extract_strided_slice %add3A_129 {offsets = [0, 0], sizes = [64, 1024], strides = [1, 1]} : vector<192x1024xf32> to vector<64x1024xf32>
    %slice3A_135 = vector.extract_strided_slice %add3A_133 {offsets = [0, 0], sizes = [64, 1024], strides = [1, 1]} : vector<192x1024xf32> to vector<64x1024xf32>
    %add3A_136 = arith.addf %slice3A_134, %slice3A_135 : vector<64x1024xf32>
    %logistic3A_137 = arith.negf %add3A_136 : vector<64x1024xf32>
    %logistic3A_138 = math.exp %logistic3A_137 : vector<64x1024xf32>
    %logistic3A_139 = arith.constant 1.000000e+00 : f32
    %logistic3A_140 = vector.broadcast %logistic3A_139 : f32 to vector<64x1024xf32>
    %logistic3A_141 = arith.addf %logistic3A_140, %logistic3A_138 : vector<64x1024xf32>
    %logistic3A_142 = arith.divf %logistic3A_140, %logistic3A_141 : vector<64x1024xf32>
    %slice3A_143 = vector.extract_strided_slice %add3A_129 {offsets = [64, 0], sizes = [64, 1024], strides = [1, 1]} : vector<192x1024xf32> to vector<64x1024xf32>
    %slice3A_144 = vector.extract_strided_slice %add3A_133 {offsets = [64, 0], sizes = [64, 1024], strides = [1, 1]} : vector<192x1024xf32> to vector<64x1024xf32>
    %add3A_145 = arith.addf %slice3A_143, %slice3A_144 : vector<64x1024xf32>
    %logistic3A_146 = arith.negf %add3A_145 : vector<64x1024xf32>
    %logistic3A_147 = math.exp %logistic3A_146 : vector<64x1024xf32>
    %logistic3A_148 = arith.constant 1.000000e+00 : f32
    %logistic3A_149 = vector.broadcast %logistic3A_148 : f32 to vector<64x1024xf32>
    %logistic3A_150 = arith.addf %logistic3A_149, %logistic3A_147 : vector<64x1024xf32>
    %logistic3A_151 = arith.divf %logistic3A_149, %logistic3A_150 : vector<64x1024xf32>
    %slice3A_152 = vector.extract_strided_slice %add3A_129 {offsets = [128, 0], sizes = [64, 1024], strides = [1, 1]} : vector<192x1024xf32> to vector<64x1024xf32>
    %slice3A_153 = vector.extract_strided_slice %add3A_133 {offsets = [128, 0], sizes = [64, 1024], strides = [1, 1]} : vector<192x1024xf32> to vector<64x1024xf32>
    %mul3A_154 = arith.mulf %logistic3A_151, %slice3A_153 : vector<64x1024xf32>
    %add3A_155 = arith.addf %slice3A_152, %mul3A_154 : vector<64x1024xf32>
    %tanh3A_156 = math.tanh %add3A_155 : vector<64x1024xf32>
    %mul3A_157 = arith.mulf %logistic3A_142, %add3A_106 : vector<64x1024xf32>
    %sub3A_158 = arith.constant 1.000000e+00 : f32
    %sub3A_159 = vector.broadcast %sub3A_158 : f32 to vector<64x1024xf32>
    %sub3A_160 = arith.subf %sub3A_159, %logistic3A_142 : vector<64x1024xf32>
    %mul3A_161 = arith.mulf %sub3A_160, %tanh3A_156 : vector<64x1024xf32>
    %add3A_162 = arith.addf %mul3A_157, %mul3A_161 : vector<64x1024xf32>
    %swap3A_163 = arith.constant 2 : index
    %swap3A_164 = arith.constant 0 : index
    %swap3A_165 = arith.constant 0 : index
    %swap3A_166 = vector.load %arg5[%swap3A_163, %swap3A_164, %swap3A_165] : memref<10x64x1024xf32, #tpu.memory_space<vmem>>, vector<1x64x1024xf32>
    %swap3A_167 = vector.shape_cast %swap3A_166 : vector<1x64x1024xf32> to vector<64x1024xf32>
    %swap3A_168 = vector.shape_cast %add3A_162 : vector<64x1024xf32> to vector<1x64x1024xf32>
    tpu.vector_store %arg5[%swap3A_163, %swap3A_164, %swap3A_165], %swap3A_168 {strides = array<i32>} : memref<10x64x1024xf32, #tpu.memory_space<vmem>>, vector<1x64x1024xf32>,
    %swap3A_169 = arith.constant 2 : index
    %swap3A_170 = arith.constant 0 : index
    %swap3A_171 = arith.constant 0 : index
    %swap3A_172 = vector.load %arg7[%swap3A_169, %swap3A_170, %swap3A_171] : memref<10x64x1024xf32, #tpu.memory_space<vmem>>, vector<1x64x1024xf32>
    %swap3A_173 = vector.shape_cast %swap3A_172 : vector<1x64x1024xf32> to vector<64x1024xf32>
    %swap3A_174 = vector.shape_cast %slice3A_125 : vector<64x1024xf32> to vector<1x64x1024xf32>
    tpu.vector_store %arg7[%swap3A_169, %swap3A_170, %swap3A_171], %swap3A_174 {strides = array<i32>} : memref<10x64x1024xf32, #tpu.memory_space<vmem>>, vector<1x64x1024xf32>,
    %get3A_175 = arith.constant 3 : index
    %get3A_176 = arith.constant 0 : index
    %get3A_177 = arith.constant 0 : index
    %get3A_178 = vector.load %arg1[%get3A_175, %get3A_176, %get3A_177] : memref<10x1024x128xf32, #tpu.memory_space<vmem>>, vector<1x1024x128xf32>
    %get3A_179 = vector.shape_cast %get3A_178 : vector<1x1024x128xf32> to vector<1024x128xf32>
    %transpose3A_180 = tpu.transpose %get3A_179, [1, 0] : vector<1024x128xf32> -> vector<128x1024xf32>
    %slice3A_181 = vector.extract_strided_slice %transpose3A_180 {offsets = [0, 0], sizes = [64, 1024], strides = [1, 1]} : vector<128x1024xf32> to vector<64x1024xf32>
    %dot_general3A_182 = arith.constant dense<0.000000e+00> : vector<192x1024xf32>
    %dot_general3A_183 = tpu.matmul %get3A_3, %slice3A_181, %dot_general3A_182 {dimension_numbers = #tpu.dot_dimension_numbers<[0], [0], [1], [1], [0, 1, 1, 1], [], []>, transpose_lhs_hint = false} : vector<64x192xf32>, vector<64x1024xf32>, vector<192x1024xf32> -> vector<192x1024xf32>
    %add3A_184 = vector.broadcast %get3A_9 : vector<192x1xf32> to vector<192x1024xf32>
    %add3A_185 = arith.addf %dot_general3A_183, %add3A_184 : vector<192x1024xf32>
    %dot_general3A_186 = arith.constant dense<0.000000e+00> : vector<192x1024xf32>
    %dot_general3A_187 = tpu.matmul %get3A_6, %add3A_162, %dot_general3A_186 {dimension_numbers = #tpu.dot_dimension_numbers<[0], [0], [1], [1], [0, 1, 1, 1], [], []>, transpose_lhs_hint = false} : vector<64x192xf32>, vector<64x1024xf32>, vector<192x1024xf32> -> vector<192x1024xf32>
    %add3A_188 = vector.broadcast %get3A_12 : vector<192x1xf32> to vector<192x1024xf32>
    %add3A_189 = arith.addf %dot_general3A_187, %add3A_188 : vector<192x1024xf32>
    %slice3A_190 = vector.extract_strided_slice %add3A_185 {offsets = [0, 0], sizes = [64, 1024], strides = [1, 1]} : vector<192x1024xf32> to vector<64x1024xf32>
    %slice3A_191 = vector.extract_strided_slice %add3A_189 {offsets = [0, 0], sizes = [64, 1024], strides = [1, 1]} : vector<192x1024xf32> to vector<64x1024xf32>
    %add3A_192 = arith.addf %slice3A_190, %slice3A_191 : vector<64x1024xf32>
    %logistic3A_193 = arith.negf %add3A_192 : vector<64x1024xf32>
    %logistic3A_194 = math.exp %logistic3A_193 : vector<64x1024xf32>
    %logistic3A_195 = arith.constant 1.000000e+00 : f32
    %logistic3A_196 = vector.broadcast %logistic3A_195 : f32 to vector<64x1024xf32>
    %logistic3A_197 = arith.addf %logistic3A_196, %logistic3A_194 : vector<64x1024xf32>
    %logistic3A_198 = arith.divf %logistic3A_196, %logistic3A_197 : vector<64x1024xf32>
    %slice3A_199 = vector.extract_strided_slice %add3A_185 {offsets = [64, 0], sizes = [64, 1024], strides = [1, 1]} : vector<192x1024xf32> to vector<64x1024xf32>
    %slice3A_200 = vector.extract_strided_slice %add3A_189 {offsets = [64, 0], sizes = [64, 1024], strides = [1, 1]} : vector<192x1024xf32> to vector<64x1024xf32>
    %add3A_201 = arith.addf %slice3A_199, %slice3A_200 : vector<64x1024xf32>
    %logistic3A_202 = arith.negf %add3A_201 : vector<64x1024xf32>
    %logistic3A_203 = math.exp %logistic3A_202 : vector<64x1024xf32>
    %logistic3A_204 = arith.constant 1.000000e+00 : f32
    %logistic3A_205 = vector.broadcast %logistic3A_204 : f32 to vector<64x1024xf32>
    %logistic3A_206 = arith.addf %logistic3A_205, %logistic3A_203 : vector<64x1024xf32>
    %logistic3A_207 = arith.divf %logistic3A_205, %logistic3A_206 : vector<64x1024xf32>
    %slice3A_208 = vector.extract_strided_slice %add3A_185 {offsets = [128, 0], sizes = [64, 1024], strides = [1, 1]} : vector<192x1024xf32> to vector<64x1024xf32>
    %slice3A_209 = vector.extract_strided_slice %add3A_189 {offsets = [128, 0], sizes = [64, 1024], strides = [1, 1]} : vector<192x1024xf32> to vector<64x1024xf32>
    %mul3A_210 = arith.mulf %logistic3A_207, %slice3A_209 : vector<64x1024xf32>
    %add3A_211 = arith.addf %slice3A_208, %mul3A_210 : vector<64x1024xf32>
    %tanh3A_212 = math.tanh %add3A_211 : vector<64x1024xf32>
    %mul3A_213 = arith.mulf %logistic3A_198, %add3A_162 : vector<64x1024xf32>
    %sub3A_214 = arith.constant 1.000000e+00 : f32
    %sub3A_215 = vector.broadcast %sub3A_214 : f32 to vector<64x1024xf32>
    %sub3A_216 = arith.subf %sub3A_215, %logistic3A_198 : vector<64x1024xf32>
    %mul3A_217 = arith.mulf %sub3A_216, %tanh3A_212 : vector<64x1024xf32>
    %add3A_218 = arith.addf %mul3A_213, %mul3A_217 : vector<64x1024xf32>
    %swap3A_219 = arith.constant 3 : index
    %swap3A_220 = arith.constant 0 : index
    %swap3A_221 = arith.constant 0 : index
    %swap3A_222 = vector.load %arg5[%swap3A_219, %swap3A_220, %swap3A_221] : memref<10x64x1024xf32, #tpu.memory_space<vmem>>, vector<1x64x1024xf32>
    %swap3A_223 = vector.shape_cast %swap3A_222 : vector<1x64x1024xf32> to vector<64x1024xf32>
    %swap3A_224 = vector.shape_cast %add3A_218 : vector<64x1024xf32> to vector<1x64x1024xf32>
    tpu.vector_store %arg5[%swap3A_219, %swap3A_220, %swap3A_221], %swap3A_224 {strides = array<i32>} : memref<10x64x1024xf32, #tpu.memory_space<vmem>>, vector<1x64x1024xf32>,
    %swap3A_225 = arith.constant 3 : index
    %swap3A_226 = arith.constant 0 : index
    %swap3A_227 = arith.constant 0 : index
    %swap3A_228 = vector.load %arg7[%swap3A_225, %swap3A_226, %swap3A_227] : memref<10x64x1024xf32, #tpu.memory_space<vmem>>, vector<1x64x1024xf32>
    %swap3A_229 = vector.shape_cast %swap3A_228 : vector<1x64x1024xf32> to vector<64x1024xf32>
    %swap3A_230 = vector.shape_cast %slice3A_181 : vector<64x1024xf32> to vector<1x64x1024xf32>
    tpu.vector_store %arg7[%swap3A_225, %swap3A_226, %swap3A_227], %swap3A_230 {strides = array<i32>} : memref<10x64x1024xf32, #tpu.memory_space<vmem>>, vector<1x64x1024xf32>,
    %get3A_231 = arith.constant 4 : index
    %get3A_232 = arith.constant 0 : index
    %get3A_233 = arith.constant 0 : index
    %get3A_234 = vector.load %arg1[%get3A_231, %get3A_232, %get3A_233] : memref<10x1024x128xf32, #tpu.memory_space<vmem>>, vector<1x1024x128xf32>
    %get3A_235 = vector.shape_cast %get3A_234 : vector<1x1024x128xf32> to vector<1024x128xf32>
    %transpose3A_236 = tpu.transpose %get3A_235, [1, 0] : vector<1024x128xf32> -> vector<128x1024xf32>
    %slice3A_237 = vector.extract_strided_slice %transpose3A_236 {offsets = [0, 0], sizes = [64, 1024], strides = [1, 1]} : vector<128x1024xf32> to vector<64x1024xf32>
    %dot_general3A_238 = arith.constant dense<0.000000e+00> : vector<192x1024xf32>
    %dot_general3A_239 = tpu.matmul %get3A_3, %slice3A_237, %dot_general3A_238 {dimension_numbers = #tpu.dot_dimension_numbers<[0], [0], [1], [1], [0, 1, 1, 1], [], []>, transpose_lhs_hint = false} : vector<64x192xf32>, vector<64x1024xf32>, vector<192x1024xf32> -> vector<192x1024xf32>
    %add3A_240 = vector.broadcast %get3A_9 : vector<192x1xf32> to vector<192x1024xf32>
    %add3A_241 = arith.addf %dot_general3A_239, %add3A_240 : vector<192x1024xf32>
    %dot_general3A_242 = arith.constant dense<0.000000e+00> : vector<192x1024xf32>
    %dot_general3A_243 = tpu.matmul %get3A_6, %add3A_218, %dot_general3A_242 {dimension_numbers = #tpu.dot_dimension_numbers<[0], [0], [1], [1], [0, 1, 1, 1], [], []>, transpose_lhs_hint = false} : vector<64x192xf32>, vector<64x1024xf32>, vector<192x1024xf32> -> vector<192x1024xf32>
    %add3A_244 = vector.broadcast %get3A_12 : vector<192x1xf32> to vector<192x1024xf32>
    %add3A_245 = arith.addf %dot_general3A_243, %add3A_244 : vector<192x1024xf32>
    %slice3A_246 = vector.extract_strided_slice %add3A_241 {offsets = [0, 0], sizes = [64, 1024], strides = [1, 1]} : vector<192x1024xf32> to vector<64x1024xf32>
    %slice3A_247 = vector.extract_strided_slice %add3A_245 {offsets = [0, 0], sizes = [64, 1024], strides = [1, 1]} : vector<192x1024xf32> to vector<64x1024xf32>
    %add3A_248 = arith.addf %slice3A_246, %slice3A_247 : vector<64x1024xf32>
    %logistic3A_249 = arith.negf %add3A_248 : vector<64x1024xf32>
    %logistic3A_250 = math.exp %logistic3A_249 : vector<64x1024xf32>
    %logistic3A_251 = arith.constant 1.000000e+00 : f32
    %logistic3A_252 = vector.broadcast %logistic3A_251 : f32 to vector<64x1024xf32>
    %logistic3A_253 = arith.addf %logistic3A_252, %logistic3A_250 : vector<64x1024xf32>
    %logistic3A_254 = arith.divf %logistic3A_252, %logistic3A_253 : vector<64x1024xf32>
    %slice3A_255 = vector.extract_strided_slice %add3A_241 {offsets = [64, 0], sizes = [64, 1024], strides = [1, 1]} : vector<192x1024xf32> to vector<64x1024xf32>
    %slice3A_256 = vector.extract_strided_slice %add3A_245 {offsets = [64, 0], sizes = [64, 1024], strides = [1, 1]} : vector<192x1024xf32> to vector<64x1024xf32>
    %add3A_257 = arith.addf %slice3A_255, %slice3A_256 : vector<64x1024xf32>
    %logistic3A_258 = arith.negf %add3A_257 : vector<64x1024xf32>
    %logistic3A_259 = math.exp %logistic3A_258 : vector<64x1024xf32>
    %logistic3A_260 = arith.constant 1.000000e+00 : f32
    %logistic3A_261 = vector.broadcast %logistic3A_260 : f32 to vector<64x1024xf32>
    %logistic3A_262 = arith.addf %logistic3A_261, %logistic3A_259 : vector<64x1024xf32>
    %logistic3A_263 = arith.divf %logistic3A_261, %logistic3A_262 : vector<64x1024xf32>
    %slice3A_264 = vector.extract_strided_slice %add3A_241 {offsets = [128, 0], sizes = [64, 1024], strides = [1, 1]} : vector<192x1024xf32> to vector<64x1024xf32>
    %slice3A_265 = vector.extract_strided_slice %add3A_245 {offsets = [128, 0], sizes = [64, 1024], strides = [1, 1]} : vector<192x1024xf32> to vector<64x1024xf32>
    %mul3A_266 = arith.mulf %logistic3A_263, %slice3A_265 : vector<64x1024xf32>
    %add3A_267 = arith.addf %slice3A_264, %mul3A_266 : vector<64x1024xf32>
    %tanh3A_268 = math.tanh %add3A_267 : vector<64x1024xf32>
    %mul3A_269 = arith.mulf %logistic3A_254, %add3A_218 : vector<64x1024xf32>
    %sub3A_270 = arith.constant 1.000000e+00 : f32
    %sub3A_271 = vector.broadcast %sub3A_270 : f32 to vector<64x1024xf32>
    %sub3A_272 = arith.subf %sub3A_271, %logistic3A_254 : vector<64x1024xf32>
    %mul3A_273 = arith.mulf %sub3A_272, %tanh3A_268 : vector<64x1024xf32>
    %add3A_274 = arith.addf %mul3A_269, %mul3A_273 : vector<64x1024xf32>
    %swap3A_275 = arith.constant 4 : index
    %swap3A_276 = arith.constant 0 : index
    %swap3A_277 = arith.constant 0 : index
    %swap3A_278 = vector.load %arg5[%swap3A_275, %swap3A_276, %swap3A_277] : memref<10x64x1024xf32, #tpu.memory_space<vmem>>, vector<1x64x1024xf32>
    %swap3A_279 = vector.shape_cast %swap3A_278 : vector<1x64x1024xf32> to vector<64x1024xf32>
    %swap3A_280 = vector.shape_cast %add3A_274 : vector<64x1024xf32> to vector<1x64x1024xf32>
    tpu.vector_store %arg5[%swap3A_275, %swap3A_276, %swap3A_277], %swap3A_280 {strides = array<i32>} : memref<10x64x1024xf32, #tpu.memory_space<vmem>>, vector<1x64x1024xf32>,
    %swap3A_281 = arith.constant 4 : index
    %swap3A_282 = arith.constant 0 : index
    %swap3A_283 = arith.constant 0 : index
    %swap3A_284 = vector.load %arg7[%swap3A_281, %swap3A_282, %swap3A_283] : memref<10x64x1024xf32, #tpu.memory_space<vmem>>, vector<1x64x1024xf32>
    %swap3A_285 = vector.shape_cast %swap3A_284 : vector<1x64x1024xf32> to vector<64x1024xf32>
    %swap3A_286 = vector.shape_cast %slice3A_237 : vector<64x1024xf32> to vector<1x64x1024xf32>
    tpu.vector_store %arg7[%swap3A_281, %swap3A_282, %swap3A_283], %swap3A_286 {strides = array<i32>} : memref<10x64x1024xf32, #tpu.memory_space<vmem>>, vector<1x64x1024xf32>,
    %get3A_287 = arith.constant 5 : index
    %get3A_288 = arith.constant 0 : index
    %get3A_289 = arith.constant 0 : index
    %get3A_290 = vector.load %arg1[%get3A_287, %get3A_288, %get3A_289] : memref<10x1024x128xf32, #tpu.memory_space<vmem>>, vector<1x1024x128xf32>
    %get3A_291 = vector.shape_cast %get3A_290 : vector<1x1024x128xf32> to vector<1024x128xf32>
    %transpose3A_292 = tpu.transpose %get3A_291, [1, 0] : vector<1024x128xf32> -> vector<128x1024xf32>
    %slice3A_293 = vector.extract_strided_slice %transpose3A_292 {offsets = [0, 0], sizes = [64, 1024], strides = [1, 1]} : vector<128x1024xf32> to vector<64x1024xf32>
    %dot_general3A_294 = arith.constant dense<0.000000e+00> : vector<192x1024xf32>
    %dot_general3A_295 = tpu.matmul %get3A_3, %slice3A_293, %dot_general3A_294 {dimension_numbers = #tpu.dot_dimension_numbers<[0], [0], [1], [1], [0, 1, 1, 1], [], []>, transpose_lhs_hint = false} : vector<64x192xf32>, vector<64x1024xf32>, vector<192x1024xf32> -> vector<192x1024xf32>
    %add3A_296 = vector.broadcast %get3A_9 : vector<192x1xf32> to vector<192x1024xf32>
    %add3A_297 = arith.addf %dot_general3A_295, %add3A_296 : vector<192x1024xf32>
    %dot_general3A_298 = arith.constant dense<0.000000e+00> : vector<192x1024xf32>
    %dot_general3A_299 = tpu.matmul %get3A_6, %add3A_274, %dot_general3A_298 {dimension_numbers = #tpu.dot_dimension_numbers<[0], [0], [1], [1], [0, 1, 1, 1], [], []>, transpose_lhs_hint = false} : vector<64x192xf32>, vector<64x1024xf32>, vector<192x1024xf32> -> vector<192x1024xf32>
    %add3A_300 = vector.broadcast %get3A_12 : vector<192x1xf32> to vector<192x1024xf32>
    %add3A_301 = arith.addf %dot_general3A_299, %add3A_300 : vector<192x1024xf32>
    %slice3A_302 = vector.extract_strided_slice %add3A_297 {offsets = [0, 0], sizes = [64, 1024], strides = [1, 1]} : vector<192x1024xf32> to vector<64x1024xf32>
    %slice3A_303 = vector.extract_strided_slice %add3A_301 {offsets = [0, 0], sizes = [64, 1024], strides = [1, 1]} : vector<192x1024xf32> to vector<64x1024xf32>
    %add3A_304 = arith.addf %slice3A_302, %slice3A_303 : vector<64x1024xf32>
    %logistic3A_305 = arith.negf %add3A_304 : vector<64x1024xf32>
    %logistic3A_306 = math.exp %logistic3A_305 : vector<64x1024xf32>
    %logistic3A_307 = arith.constant 1.000000e+00 : f32
    %logistic3A_308 = vector.broadcast %logistic3A_307 : f32 to vector<64x1024xf32>
    %logistic3A_309 = arith.addf %logistic3A_308, %logistic3A_306 : vector<64x1024xf32>
    %logistic3A_310 = arith.divf %logistic3A_308, %logistic3A_309 : vector<64x1024xf32>
    %slice3A_311 = vector.extract_strided_slice %add3A_297 {offsets = [64, 0], sizes = [64, 1024], strides = [1, 1]} : vector<192x1024xf32> to vector<64x1024xf32>
    %slice3A_312 = vector.extract_strided_slice %add3A_301 {offsets = [64, 0], sizes = [64, 1024], strides = [1, 1]} : vector<192x1024xf32> to vector<64x1024xf32>
    %add3A_313 = arith.addf %slice3A_311, %slice3A_312 : vector<64x1024xf32>
    %logistic3A_314 = arith.negf %add3A_313 : vector<64x1024xf32>
    %logistic3A_315 = math.exp %logistic3A_314 : vector<64x1024xf32>
    %logistic3A_316 = arith.constant 1.000000e+00 : f32
    %logistic3A_317 = vector.broadcast %logistic3A_316 : f32 to vector<64x1024xf32>
    %logistic3A_318 = arith.addf %logistic3A_317, %logistic3A_315 : vector<64x1024xf32>
    %logistic3A_319 = arith.divf %logistic3A_317, %logistic3A_318 : vector<64x1024xf32>
    %slice3A_320 = vector.extract_strided_slice %add3A_297 {offsets = [128, 0], sizes = [64, 1024], strides = [1, 1]} : vector<192x1024xf32> to vector<64x1024xf32>
    %slice3A_321 = vector.extract_strided_slice %add3A_301 {offsets = [128, 0], sizes = [64, 1024], strides = [1, 1]} : vector<192x1024xf32> to vector<64x1024xf32>
    %mul3A_322 = arith.mulf %logistic3A_319, %slice3A_321 : vector<64x1024xf32>
    %add3A_323 = arith.addf %slice3A_320, %mul3A_322 : vector<64x1024xf32>
    %tanh3A_324 = math.tanh %add3A_323 : vector<64x1024xf32>
    %mul3A_325 = arith.mulf %logistic3A_310, %add3A_274 : vector<64x1024xf32>
    %sub3A_326 = arith.constant 1.000000e+00 : f32
    %sub3A_327 = vector.broadcast %sub3A_326 : f32 to vector<64x1024xf32>
    %sub3A_328 = arith.subf %sub3A_327, %logistic3A_310 : vector<64x1024xf32>
    %mul3A_329 = arith.mulf %sub3A_328, %tanh3A_324 : vector<64x1024xf32>
    %add3A_330 = arith.addf %mul3A_325, %mul3A_329 : vector<64x1024xf32>
    %swap3A_331 = arith.constant 5 : index
    %swap3A_332 = arith.constant 0 : index
    %swap3A_333 = arith.constant 0 : index
    %swap3A_334 = vector.load %arg5[%swap3A_331, %swap3A_332, %swap3A_333] : memref<10x64x1024xf32, #tpu.memory_space<vmem>>, vector<1x64x1024xf32>
    %swap3A_335 = vector.shape_cast %swap3A_334 : vector<1x64x1024xf32> to vector<64x1024xf32>
    %swap3A_336 = vector.shape_cast %add3A_330 : vector<64x1024xf32> to vector<1x64x1024xf32>
    tpu.vector_store %arg5[%swap3A_331, %swap3A_332, %swap3A_333], %swap3A_336 {strides = array<i32>} : memref<10x64x1024xf32, #tpu.memory_space<vmem>>, vector<1x64x1024xf32>,
    %swap3A_337 = arith.constant 5 : index
    %swap3A_338 = arith.constant 0 : index
    %swap3A_339 = arith.constant 0 : index
    %swap3A_340 = vector.load %arg7[%swap3A_337, %swap3A_338, %swap3A_339] : memref<10x64x1024xf32, #tpu.memory_space<vmem>>, vector<1x64x1024xf32>
    %swap3A_341 = vector.shape_cast %swap3A_340 : vector<1x64x1024xf32> to vector<64x1024xf32>
    %swap3A_342 = vector.shape_cast %slice3A_293 : vector<64x1024xf32> to vector<1x64x1024xf32>
    tpu.vector_store %arg7[%swap3A_337, %swap3A_338, %swap3A_339], %swap3A_342 {strides = array<i32>} : memref<10x64x1024xf32, #tpu.memory_space<vmem>>, vector<1x64x1024xf32>,
    %get3A_343 = arith.constant 6 : index
    %get3A_344 = arith.constant 0 : index
    %get3A_345 = arith.constant 0 : index
    %get3A_346 = vector.load %arg1[%get3A_343, %get3A_344, %get3A_345] : memref<10x1024x128xf32, #tpu.memory_space<vmem>>, vector<1x1024x128xf32>
    %get3A_347 = vector.shape_cast %get3A_346 : vector<1x1024x128xf32> to vector<1024x128xf32>
    %transpose3A_348 = tpu.transpose %get3A_347, [1, 0] : vector<1024x128xf32> -> vector<128x1024xf32>
    %slice3A_349 = vector.extract_strided_slice %transpose3A_348 {offsets = [0, 0], sizes = [64, 1024], strides = [1, 1]} : vector<128x1024xf32> to vector<64x1024xf32>
    %dot_general3A_350 = arith.constant dense<0.000000e+00> : vector<192x1024xf32>
    %dot_general3A_351 = tpu.matmul %get3A_3, %slice3A_349, %dot_general3A_350 {dimension_numbers = #tpu.dot_dimension_numbers<[0], [0], [1], [1], [0, 1, 1, 1], [], []>, transpose_lhs_hint = false} : vector<64x192xf32>, vector<64x1024xf32>, vector<192x1024xf32> -> vector<192x1024xf32>
    %add3A_352 = vector.broadcast %get3A_9 : vector<192x1xf32> to vector<192x1024xf32>
    %add3A_353 = arith.addf %dot_general3A_351, %add3A_352 : vector<192x1024xf32>
    %dot_general3A_354 = arith.constant dense<0.000000e+00> : vector<192x1024xf32>
    %dot_general3A_355 = tpu.matmul %get3A_6, %add3A_330, %dot_general3A_354 {dimension_numbers = #tpu.dot_dimension_numbers<[0], [0], [1], [1], [0, 1, 1, 1], [], []>, transpose_lhs_hint = false} : vector<64x192xf32>, vector<64x1024xf32>, vector<192x1024xf32> -> vector<192x1024xf32>
    %add3A_356 = vector.broadcast %get3A_12 : vector<192x1xf32> to vector<192x1024xf32>
    %add3A_357 = arith.addf %dot_general3A_355, %add3A_356 : vector<192x1024xf32>
    %slice3A_358 = vector.extract_strided_slice %add3A_353 {offsets = [0, 0], sizes = [64, 1024], strides = [1, 1]} : vector<192x1024xf32> to vector<64x1024xf32>
    %slice3A_359 = vector.extract_strided_slice %add3A_357 {offsets = [0, 0], sizes = [64, 1024], strides = [1, 1]} : vector<192x1024xf32> to vector<64x1024xf32>
    %add3A_360 = arith.addf %slice3A_358, %slice3A_359 : vector<64x1024xf32>
    %logistic3A_361 = arith.negf %add3A_360 : vector<64x1024xf32>
    %logistic3A_362 = math.exp %logistic3A_361 : vector<64x1024xf32>
    %logistic3A_363 = arith.constant 1.000000e+00 : f32
    %logistic3A_364 = vector.broadcast %logistic3A_363 : f32 to vector<64x1024xf32>
    %logistic3A_365 = arith.addf %logistic3A_364, %logistic3A_362 : vector<64x1024xf32>
    %logistic3A_366 = arith.divf %logistic3A_364, %logistic3A_365 : vector<64x1024xf32>
    %slice3A_367 = vector.extract_strided_slice %add3A_353 {offsets = [64, 0], sizes = [64, 1024], strides = [1, 1]} : vector<192x1024xf32> to vector<64x1024xf32>
    %slice3A_368 = vector.extract_strided_slice %add3A_357 {offsets = [64, 0], sizes = [64, 1024], strides = [1, 1]} : vector<192x1024xf32> to vector<64x1024xf32>
    %add3A_369 = arith.addf %slice3A_367, %slice3A_368 : vector<64x1024xf32>
    %logistic3A_370 = arith.negf %add3A_369 : vector<64x1024xf32>
    %logistic3A_371 = math.exp %logistic3A_370 : vector<64x1024xf32>
    %logistic3A_372 = arith.constant 1.000000e+00 : f32
    %logistic3A_373 = vector.broadcast %logistic3A_372 : f32 to vector<64x1024xf32>
    %logistic3A_374 = arith.addf %logistic3A_373, %logistic3A_371 : vector<64x1024xf32>
    %logistic3A_375 = arith.divf %logistic3A_373, %logistic3A_374 : vector<64x1024xf32>
    %slice3A_376 = vector.extract_strided_slice %add3A_353 {offsets = [128, 0], sizes = [64, 1024], strides = [1, 1]} : vector<192x1024xf32> to vector<64x1024xf32>
    %slice3A_377 = vector.extract_strided_slice %add3A_357 {offsets = [128, 0], sizes = [64, 1024], strides = [1, 1]} : vector<192x1024xf32> to vector<64x1024xf32>
    %mul3A_378 = arith.mulf %logistic3A_375, %slice3A_377 : vector<64x1024xf32>
    %add3A_379 = arith.addf %slice3A_376, %mul3A_378 : vector<64x1024xf32>
    %tanh3A_380 = math.tanh %add3A_379 : vector<64x1024xf32>
    %mul3A_381 = arith.mulf %logistic3A_366, %add3A_330 : vector<64x1024xf32>
    %sub3A_382 = arith.constant 1.000000e+00 : f32
    %sub3A_383 = vector.broadcast %sub3A_382 : f32 to vector<64x1024xf32>
    %sub3A_384 = arith.subf %sub3A_383, %logistic3A_366 : vector<64x1024xf32>
    %mul3A_385 = arith.mulf %sub3A_384, %tanh3A_380 : vector<64x1024xf32>
    %add3A_386 = arith.addf %mul3A_381, %mul3A_385 : vector<64x1024xf32>
    %swap3A_387 = arith.constant 6 : index
    %swap3A_388 = arith.constant 0 : index
    %swap3A_389 = arith.constant 0 : index
    %swap3A_390 = vector.load %arg5[%swap3A_387, %swap3A_388, %swap3A_389] : memref<10x64x1024xf32, #tpu.memory_space<vmem>>, vector<1x64x1024xf32>
    %swap3A_391 = vector.shape_cast %swap3A_390 : vector<1x64x1024xf32> to vector<64x1024xf32>
    %swap3A_392 = vector.shape_cast %add3A_386 : vector<64x1024xf32> to vector<1x64x1024xf32>
    tpu.vector_store %arg5[%swap3A_387, %swap3A_388, %swap3A_389], %swap3A_392 {strides = array<i32>} : memref<10x64x1024xf32, #tpu.memory_space<vmem>>, vector<1x64x1024xf32>,
    %swap3A_393 = arith.constant 6 : index
    %swap3A_394 = arith.constant 0 : index
    %swap3A_395 = arith.constant 0 : index
    %swap3A_396 = vector.load %arg7[%swap3A_393, %swap3A_394, %swap3A_395] : memref<10x64x1024xf32, #tpu.memory_space<vmem>>, vector<1x64x1024xf32>
    %swap3A_397 = vector.shape_cast %swap3A_396 : vector<1x64x1024xf32> to vector<64x1024xf32>
    %swap3A_398 = vector.shape_cast %slice3A_349 : vector<64x1024xf32> to vector<1x64x1024xf32>
    tpu.vector_store %arg7[%swap3A_393, %swap3A_394, %swap3A_395], %swap3A_398 {strides = array<i32>} : memref<10x64x1024xf32, #tpu.memory_space<vmem>>, vector<1x64x1024xf32>,
    %get3A_399 = arith.constant 7 : index
    %get3A_400 = arith.constant 0 : index
    %get3A_401 = arith.constant 0 : index
    %get3A_402 = vector.load %arg1[%get3A_399, %get3A_400, %get3A_401] : memref<10x1024x128xf32, #tpu.memory_space<vmem>>, vector<1x1024x128xf32>
    %get3A_403 = vector.shape_cast %get3A_402 : vector<1x1024x128xf32> to vector<1024x128xf32>
    %transpose3A_404 = tpu.transpose %get3A_403, [1, 0] : vector<1024x128xf32> -> vector<128x1024xf32>
    %slice3A_405 = vector.extract_strided_slice %transpose3A_404 {offsets = [0, 0], sizes = [64, 1024], strides = [1, 1]} : vector<128x1024xf32> to vector<64x1024xf32>
    %dot_general3A_406 = arith.constant dense<0.000000e+00> : vector<192x1024xf32>
    %dot_general3A_407 = tpu.matmul %get3A_3, %slice3A_405, %dot_general3A_406 {dimension_numbers = #tpu.dot_dimension_numbers<[0], [0], [1], [1], [0, 1, 1, 1], [], []>, transpose_lhs_hint = false} : vector<64x192xf32>, vector<64x1024xf32>, vector<192x1024xf32> -> vector<192x1024xf32>
    %add3A_408 = vector.broadcast %get3A_9 : vector<192x1xf32> to vector<192x1024xf32>
    %add3A_409 = arith.addf %dot_general3A_407, %add3A_408 : vector<192x1024xf32>
    %dot_general3A_410 = arith.constant dense<0.000000e+00> : vector<192x1024xf32>
    %dot_general3A_411 = tpu.matmul %get3A_6, %add3A_386, %dot_general3A_410 {dimension_numbers = #tpu.dot_dimension_numbers<[0], [0], [1], [1], [0, 1, 1, 1], [], []>, transpose_lhs_hint = false} : vector<64x192xf32>, vector<64x1024xf32>, vector<192x1024xf32> -> vector<192x1024xf32>
    %add3A_412 = vector.broadcast %get3A_12 : vector<192x1xf32> to vector<192x1024xf32>
    %add3A_413 = arith.addf %dot_general3A_411, %add3A_412 : vector<192x1024xf32>
    %slice3A_414 = vector.extract_strided_slice %add3A_409 {offsets = [0, 0], sizes = [64, 1024], strides = [1, 1]} : vector<192x1024xf32> to vector<64x1024xf32>
    %slice3A_415 = vector.extract_strided_slice %add3A_413 {offsets = [0, 0], sizes = [64, 1024], strides = [1, 1]} : vector<192x1024xf32> to vector<64x1024xf32>
    %add3A_416 = arith.addf %slice3A_414, %slice3A_415 : vector<64x1024xf32>
    %logistic3A_417 = arith.negf %add3A_416 : vector<64x1024xf32>
    %logistic3A_418 = math.exp %logistic3A_417 : vector<64x1024xf32>
    %logistic3A_419 = arith.constant 1.000000e+00 : f32
    %logistic3A_420 = vector.broadcast %logistic3A_419 : f32 to vector<64x1024xf32>
    %logistic3A_421 = arith.addf %logistic3A_420, %logistic3A_418 : vector<64x1024xf32>
    %logistic3A_422 = arith.divf %logistic3A_420, %logistic3A_421 : vector<64x1024xf32>
    %slice3A_423 = vector.extract_strided_slice %add3A_409 {offsets = [64, 0], sizes = [64, 1024], strides = [1, 1]} : vector<192x1024xf32> to vector<64x1024xf32>
    %slice3A_424 = vector.extract_strided_slice %add3A_413 {offsets = [64, 0], sizes = [64, 1024], strides = [1, 1]} : vector<192x1024xf32> to vector<64x1024xf32>
    %add3A_425 = arith.addf %slice3A_423, %slice3A_424 : vector<64x1024xf32>
    %logistic3A_426 = arith.negf %add3A_425 : vector<64x1024xf32>
    %logistic3A_427 = math.exp %logistic3A_426 : vector<64x1024xf32>
    %logistic3A_428 = arith.constant 1.000000e+00 : f32
    %logistic3A_429 = vector.broadcast %logistic3A_428 : f32 to vector<64x1024xf32>
    %logistic3A_430 = arith.addf %logistic3A_429, %logistic3A_427 : vector<64x1024xf32>
    %logistic3A_431 = arith.divf %logistic3A_429, %logistic3A_430 : vector<64x1024xf32>
    %slice3A_432 = vector.extract_strided_slice %add3A_409 {offsets = [128, 0], sizes = [64, 1024], strides = [1, 1]} : vector<192x1024xf32> to vector<64x1024xf32>
    %slice3A_433 = vector.extract_strided_slice %add3A_413 {offsets = [128, 0], sizes = [64, 1024], strides = [1, 1]} : vector<192x1024xf32> to vector<64x1024xf32>
    %mul3A_434 = arith.mulf %logistic3A_431, %slice3A_433 : vector<64x1024xf32>
    %add3A_435 = arith.addf %slice3A_432, %mul3A_434 : vector<64x1024xf32>
    %tanh3A_436 = math.tanh %add3A_435 : vector<64x1024xf32>
    %mul3A_437 = arith.mulf %logistic3A_422, %add3A_386 : vector<64x1024xf32>
    %sub3A_438 = arith.constant 1.000000e+00 : f32
    %sub3A_439 = vector.broadcast %sub3A_438 : f32 to vector<64x1024xf32>
    %sub3A_440 = arith.subf %sub3A_439, %logistic3A_422 : vector<64x1024xf32>
    %mul3A_441 = arith.mulf %sub3A_440, %tanh3A_436 : vector<64x1024xf32>
    %add3A_442 = arith.addf %mul3A_437, %mul3A_441 : vector<64x1024xf32>
    %swap3A_443 = arith.constant 7 : index
    %swap3A_444 = arith.constant 0 : index
    %swap3A_445 = arith.constant 0 : index
    %swap3A_446 = vector.load %arg5[%swap3A_443, %swap3A_444, %swap3A_445] : memref<10x64x1024xf32, #tpu.memory_space<vmem>>, vector<1x64x1024xf32>
    %swap3A_447 = vector.shape_cast %swap3A_446 : vector<1x64x1024xf32> to vector<64x1024xf32>
    %swap3A_448 = vector.shape_cast %add3A_442 : vector<64x1024xf32> to vector<1x64x1024xf32>
    tpu.vector_store %arg5[%swap3A_443, %swap3A_444, %swap3A_445], %swap3A_448 {strides = array<i32>} : memref<10x64x1024xf32, #tpu.memory_space<vmem>>, vector<1x64x1024xf32>,
    %swap3A_449 = arith.constant 7 : index
    %swap3A_450 = arith.constant 0 : index
    %swap3A_451 = arith.constant 0 : index
    %swap3A_452 = vector.load %arg7[%swap3A_449, %swap3A_450, %swap3A_451] : memref<10x64x1024xf32, #tpu.memory_space<vmem>>, vector<1x64x1024xf32>
    %swap3A_453 = vector.shape_cast %swap3A_452 : vector<1x64x1024xf32> to vector<64x1024xf32>
    %swap3A_454 = vector.shape_cast %slice3A_405 : vector<64x1024xf32> to vector<1x64x1024xf32>
    tpu.vector_store %arg7[%swap3A_449, %swap3A_450, %swap3A_451], %swap3A_454 {strides = array<i32>} : memref<10x64x1024xf32, #tpu.memory_space<vmem>>, vector<1x64x1024xf32>,
    %get3A_455 = arith.constant 8 : index
    %get3A_456 = arith.constant 0 : index
    %get3A_457 = arith.constant 0 : index
    %get3A_458 = vector.load %arg1[%get3A_455, %get3A_456, %get3A_457] : memref<10x1024x128xf32, #tpu.memory_space<vmem>>, vector<1x1024x128xf32>
    %get3A_459 = vector.shape_cast %get3A_458 : vector<1x1024x128xf32> to vector<1024x128xf32>
    %transpose3A_460 = tpu.transpose %get3A_459, [1, 0] : vector<1024x128xf32> -> vector<128x1024xf32>
    %slice3A_461 = vector.extract_strided_slice %transpose3A_460 {offsets = [0, 0], sizes = [64, 1024], strides = [1, 1]} : vector<128x1024xf32> to vector<64x1024xf32>
    %dot_general3A_462 = arith.constant dense<0.000000e+00> : vector<192x1024xf32>
    %dot_general3A_463 = tpu.matmul %get3A_3, %slice3A_461, %dot_general3A_462 {dimension_numbers = #tpu.dot_dimension_numbers<[0], [0], [1], [1], [0, 1, 1, 1], [], []>, transpose_lhs_hint = false} : vector<64x192xf32>, vector<64x1024xf32>, vector<192x1024xf32> -> vector<192x1024xf32>
    %add3A_464 = vector.broadcast %get3A_9 : vector<192x1xf32> to vector<192x1024xf32>
    %add3A_465 = arith.addf %dot_general3A_463, %add3A_464 : vector<192x1024xf32>
    %dot_general3A_466 = arith.constant dense<0.000000e+00> : vector<192x1024xf32>
    %dot_general3A_467 = tpu.matmul %get3A_6, %add3A_442, %dot_general3A_466 {dimension_numbers = #tpu.dot_dimension_numbers<[0], [0], [1], [1], [0, 1, 1, 1], [], []>, transpose_lhs_hint = false} : vector<64x192xf32>, vector<64x1024xf32>, vector<192x1024xf32> -> vector<192x1024xf32>
    %add3A_468 = vector.broadcast %get3A_12 : vector<192x1xf32> to vector<192x1024xf32>
    %add3A_469 = arith.addf %dot_general3A_467, %add3A_468 : vector<192x1024xf32>
    %slice3A_470 = vector.extract_strided_slice %add3A_465 {offsets = [0, 0], sizes = [64, 1024], strides = [1, 1]} : vector<192x1024xf32> to vector<64x1024xf32>
    %slice3A_471 = vector.extract_strided_slice %add3A_469 {offsets = [0, 0], sizes = [64, 1024], strides = [1, 1]} : vector<192x1024xf32> to vector<64x1024xf32>
    %add3A_472 = arith.addf %slice3A_470, %slice3A_471 : vector<64x1024xf32>
    %logistic3A_473 = arith.negf %add3A_472 : vector<64x1024xf32>
    %logistic3A_474 = math.exp %logistic3A_473 : vector<64x1024xf32>
    %logistic3A_475 = arith.constant 1.000000e+00 : f32
    %logistic3A_476 = vector.broadcast %logistic3A_475 : f32 to vector<64x1024xf32>
    %logistic3A_477 = arith.addf %logistic3A_476, %logistic3A_474 : vector<64x1024xf32>
    %logistic3A_478 = arith.divf %logistic3A_476, %logistic3A_477 : vector<64x1024xf32>
    %slice3A_479 = vector.extract_strided_slice %add3A_465 {offsets = [64, 0], sizes = [64, 1024], strides = [1, 1]} : vector<192x1024xf32> to vector<64x1024xf32>
    %slice3A_480 = vector.extract_strided_slice %add3A_469 {offsets = [64, 0], sizes = [64, 1024], strides = [1, 1]} : vector<192x1024xf32> to vector<64x1024xf32>
    %add3A_481 = arith.addf %slice3A_479, %slice3A_480 : vector<64x1024xf32>
    %logistic3A_482 = arith.negf %add3A_481 : vector<64x1024xf32>
    %logistic3A_483 = math.exp %logistic3A_482 : vector<64x1024xf32>
    %logistic3A_484 = arith.constant 1.000000e+00 : f32
    %logistic3A_485 = vector.broadcast %logistic3A_484 : f32 to vector<64x1024xf32>
    %logistic3A_486 = arith.addf %logistic3A_485, %logistic3A_483 : vector<64x1024xf32>
    %logistic3A_487 = arith.divf %logistic3A_485, %logistic3A_486 : vector<64x1024xf32>
    %slice3A_488 = vector.extract_strided_slice %add3A_465 {offsets = [128, 0], sizes = [64, 1024], strides = [1, 1]} : vector<192x1024xf32> to vector<64x1024xf32>
    %slice3A_489 = vector.extract_strided_slice %add3A_469 {offsets = [128, 0], sizes = [64, 1024], strides = [1, 1]} : vector<192x1024xf32> to vector<64x1024xf32>
    %mul3A_490 = arith.mulf %logistic3A_487, %slice3A_489 : vector<64x1024xf32>
    %add3A_491 = arith.addf %slice3A_488, %mul3A_490 : vector<64x1024xf32>
    %tanh3A_492 = math.tanh %add3A_491 : vector<64x1024xf32>
    %mul3A_493 = arith.mulf %logistic3A_478, %add3A_442 : vector<64x1024xf32>
    %sub3A_494 = arith.constant 1.000000e+00 : f32
    %sub3A_495 = vector.broadcast %sub3A_494 : f32 to vector<64x1024xf32>
    %sub3A_496 = arith.subf %sub3A_495, %logistic3A_478 : vector<64x1024xf32>
    %mul3A_497 = arith.mulf %sub3A_496, %tanh3A_492 : vector<64x1024xf32>
    %add3A_498 = arith.addf %mul3A_493, %mul3A_497 : vector<64x1024xf32>
    %swap3A_499 = arith.constant 8 : index
    %swap3A_500 = arith.constant 0 : index
    %swap3A_501 = arith.constant 0 : index
    %swap3A_502 = vector.load %arg5[%swap3A_499, %swap3A_500, %swap3A_501] : memref<10x64x1024xf32, #tpu.memory_space<vmem>>, vector<1x64x1024xf32>
    %swap3A_503 = vector.shape_cast %swap3A_502 : vector<1x64x1024xf32> to vector<64x1024xf32>
    %swap3A_504 = vector.shape_cast %add3A_498 : vector<64x1024xf32> to vector<1x64x1024xf32>
    tpu.vector_store %arg5[%swap3A_499, %swap3A_500, %swap3A_501], %swap3A_504 {strides = array<i32>} : memref<10x64x1024xf32, #tpu.memory_space<vmem>>, vector<1x64x1024xf32>,
    %swap3A_505 = arith.constant 8 : index
    %swap3A_506 = arith.constant 0 : index
    %swap3A_507 = arith.constant 0 : index
    %swap3A_508 = vector.load %arg7[%swap3A_505, %swap3A_506, %swap3A_507] : memref<10x64x1024xf32, #tpu.memory_space<vmem>>, vector<1x64x1024xf32>
    %swap3A_509 = vector.shape_cast %swap3A_508 : vector<1x64x1024xf32> to vector<64x1024xf32>
    %swap3A_510 = vector.shape_cast %slice3A_461 : vector<64x1024xf32> to vector<1x64x1024xf32>
    tpu.vector_store %arg7[%swap3A_505, %swap3A_506, %swap3A_507], %swap3A_510 {strides = array<i32>} : memref<10x64x1024xf32, #tpu.memory_space<vmem>>, vector<1x64x1024xf32>,
    %get3A_511 = arith.constant 9 : index
    %get3A_512 = arith.constant 0 : index
    %get3A_513 = arith.constant 0 : index
    %get3A_514 = vector.load %arg1[%get3A_511, %get3A_512, %get3A_513] : memref<10x1024x128xf32, #tpu.memory_space<vmem>>, vector<1x1024x128xf32>
    %get3A_515 = vector.shape_cast %get3A_514 : vector<1x1024x128xf32> to vector<1024x128xf32>
    %transpose3A_516 = tpu.transpose %get3A_515, [1, 0] : vector<1024x128xf32> -> vector<128x1024xf32>
    %slice3A_517 = vector.extract_strided_slice %transpose3A_516 {offsets = [0, 0], sizes = [64, 1024], strides = [1, 1]} : vector<128x1024xf32> to vector<64x1024xf32>
    %dot_general3A_518 = arith.constant dense<0.000000e+00> : vector<192x1024xf32>
    %dot_general3A_519 = tpu.matmul %get3A_3, %slice3A_517, %dot_general3A_518 {dimension_numbers = #tpu.dot_dimension_numbers<[0], [0], [1], [1], [0, 1, 1, 1], [], []>, transpose_lhs_hint = false} : vector<64x192xf32>, vector<64x1024xf32>, vector<192x1024xf32> -> vector<192x1024xf32>
    %add3A_520 = vector.broadcast %get3A_9 : vector<192x1xf32> to vector<192x1024xf32>
    %add3A_521 = arith.addf %dot_general3A_519, %add3A_520 : vector<192x1024xf32>
    %dot_general3A_522 = arith.constant dense<0.000000e+00> : vector<192x1024xf32>
    %dot_general3A_523 = tpu.matmul %get3A_6, %add3A_498, %dot_general3A_522 {dimension_numbers = #tpu.dot_dimension_numbers<[0], [0], [1], [1], [0, 1, 1, 1], [], []>, transpose_lhs_hint = false} : vector<64x192xf32>, vector<64x1024xf32>, vector<192x1024xf32> -> vector<192x1024xf32>
    %add3A_524 = vector.broadcast %get3A_12 : vector<192x1xf32> to vector<192x1024xf32>
    %add3A_525 = arith.addf %dot_general3A_523, %add3A_524 : vector<192x1024xf32>
    %slice3A_526 = vector.extract_strided_slice %add3A_521 {offsets = [0, 0], sizes = [64, 1024], strides = [1, 1]} : vector<192x1024xf32> to vector<64x1024xf32>
    %slice3A_527 = vector.extract_strided_slice %add3A_525 {offsets = [0, 0], sizes = [64, 1024], strides = [1, 1]} : vector<192x1024xf32> to vector<64x1024xf32>
    %add3A_528 = arith.addf %slice3A_526, %slice3A_527 : vector<64x1024xf32>
    %logistic3A_529 = arith.negf %add3A_528 : vector<64x1024xf32>
    %logistic3A_530 = math.exp %logistic3A_529 : vector<64x1024xf32>
    %logistic3A_531 = arith.constant 1.000000e+00 : f32
    %logistic3A_532 = vector.broadcast %logistic3A_531 : f32 to vector<64x1024xf32>
    %logistic3A_533 = arith.addf %logistic3A_532, %logistic3A_530 : vector<64x1024xf32>
    %logistic3A_534 = arith.divf %logistic3A_532, %logistic3A_533 : vector<64x1024xf32>
    %slice3A_535 = vector.extract_strided_slice %add3A_521 {offsets = [64, 0], sizes = [64, 1024], strides = [1, 1]} : vector<192x1024xf32> to vector<64x1024xf32>
    %slice3A_536 = vector.extract_strided_slice %add3A_525 {offsets = [64, 0], sizes = [64, 1024], strides = [1, 1]} : vector<192x1024xf32> to vector<64x1024xf32>
    %add3A_537 = arith.addf %slice3A_535, %slice3A_536 : vector<64x1024xf32>
    %logistic3A_538 = arith.negf %add3A_537 : vector<64x1024xf32>
    %logistic3A_539 = math.exp %logistic3A_538 : vector<64x1024xf32>
    %logistic3A_540 = arith.constant 1.000000e+00 : f32
    %logistic3A_541 = vector.broadcast %logistic3A_540 : f32 to vector<64x1024xf32>
    %logistic3A_542 = arith.addf %logistic3A_541, %logistic3A_539 : vector<64x1024xf32>
    %logistic3A_543 = arith.divf %logistic3A_541, %logistic3A_542 : vector<64x1024xf32>
    %slice3A_544 = vector.extract_strided_slice %add3A_521 {offsets = [128, 0], sizes = [64, 1024], strides = [1, 1]} : vector<192x1024xf32> to vector<64x1024xf32>
    %slice3A_545 = vector.extract_strided_slice %add3A_525 {offsets = [128, 0], sizes = [64, 1024], strides = [1, 1]} : vector<192x1024xf32> to vector<64x1024xf32>
    %mul3A_546 = arith.mulf %logistic3A_543, %slice3A_545 : vector<64x1024xf32>
    %add3A_547 = arith.addf %slice3A_544, %mul3A_546 : vector<64x1024xf32>
    %tanh3A_548 = math.tanh %add3A_547 : vector<64x1024xf32>
    %mul3A_549 = arith.mulf %logistic3A_534, %add3A_498 : vector<64x1024xf32>
    %sub3A_550 = arith.constant 1.000000e+00 : f32
    %sub3A_551 = vector.broadcast %sub3A_550 : f32 to vector<64x1024xf32>
    %sub3A_552 = arith.subf %sub3A_551, %logistic3A_534 : vector<64x1024xf32>
    %mul3A_553 = arith.mulf %sub3A_552, %tanh3A_548 : vector<64x1024xf32>
    %add3A_554 = arith.addf %mul3A_549, %mul3A_553 : vector<64x1024xf32>
    %swap3A_555 = arith.constant 9 : index
    %swap3A_556 = arith.constant 0 : index
    %swap3A_557 = arith.constant 0 : index
    %swap3A_558 = vector.load %arg5[%swap3A_555, %swap3A_556, %swap3A_557] : memref<10x64x1024xf32, #tpu.memory_space<vmem>>, vector<1x64x1024xf32>
    %swap3A_559 = vector.shape_cast %swap3A_558 : vector<1x64x1024xf32> to vector<64x1024xf32>
    %swap3A_560 = vector.shape_cast %add3A_554 : vector<64x1024xf32> to vector<1x64x1024xf32>
    tpu.vector_store %arg5[%swap3A_555, %swap3A_556, %swap3A_557], %swap3A_560 {strides = array<i32>} : memref<10x64x1024xf32, #tpu.memory_space<vmem>>, vector<1x64x1024xf32>,
    %swap3A_561 = arith.constant 9 : index
    %swap3A_562 = arith.constant 0 : index
    %swap3A_563 = arith.constant 0 : index
    %swap3A_564 = vector.load %arg7[%swap3A_561, %swap3A_562, %swap3A_563] : memref<10x64x1024xf32, #tpu.memory_space<vmem>>, vector<1x64x1024xf32>
    %swap3A_565 = vector.shape_cast %swap3A_564 : vector<1x64x1024xf32> to vector<64x1024xf32>
    %swap3A_566 = vector.shape_cast %slice3A_517 : vector<64x1024xf32> to vector<1x64x1024xf32>
    tpu.vector_store %arg7[%swap3A_561, %swap3A_562, %swap3A_563], %swap3A_566 {strides = array<i32>} : memref<10x64x1024xf32, #tpu.memory_space<vmem>>, vector<1x64x1024xf32>,
    %swap3A_567 = arith.constant 0 : index
    %swap3A_568 = arith.constant 0 : index
    %swap3A_569 = vector.load %arg8[%swap3A_567, %swap3A_568] : memref<64x1024xf32, #tpu.memory_space<vmem>>, vector<64x1024xf32>
    tpu.vector_store %arg8[%swap3A_567, %swap3A_568], %add3A_554 {strides = array<i32>} : memref<64x1024xf32, #tpu.memory_space<vmem>>, vector<64x1024xf32>,
    %eq3A_570 = arith.constant 4 : i32
    %eq3A_571 = arith.cmpi eq, %arg0, %eq3A_570 : i32
    %convert_element_type3A_572 = arith.extui %eq3A_571 : i1 to i32
    %cond3A_573 = arith.constant 0 : i32
    %cond3A_574 = arith.cmpi ne, %convert_element_type3A_572, %cond3A_573 : i32
    scf.if %cond3A_574 {
      %swap3A_575 = arith.constant 0 : index
      %swap3A_576 = arith.constant 0 : index
      %swap3A_577 = vector.load %arg6[%swap3A_575, %swap3A_576] : memref<64x1024xf32, #tpu.memory_space<vmem>>, vector<64x1024xf32>
      tpu.vector_store %arg6[%swap3A_575, %swap3A_576], %add3A_554 {strides = array<i32>} : memref<64x1024xf32, #tpu.memory_space<vmem>>, vector<64x1024xf32>,
    } else {
    }
    return
  }
  func.func @transform_0(%arg0: i32) -> (i32, i32, i32) {
    %c0_i32 = arith.constant 0 : i32
    %c0_i32_0 = arith.constant 0 : i32
    %c0_i32_1 = arith.constant 0 : i32
    return %arg0, %c0_i32, %c0_i32_0 : i32, i32, i32
  }
  func.func @transform_1(%arg0: i32) -> (i32, i32) {
    %c0_i32 = arith.constant 0 : i32
    %c0_i32_0 = arith.constant 0 : i32
    %c0_i32_1 = arith.constant 0 : i32
    return %c0_i32, %c0_i32_0 : i32, i32
  }
  func.func @transform_2(%arg0: i32) -> (i32, i32) {
    %c0_i32 = arith.constant 0 : i32
    %c0_i32_0 = arith.constant 0 : i32
    %c0_i32_1 = arith.constant 0 : i32
    return %c0_i32, %c0_i32_0 : i32, i32
  }
  func.func @transform_3(%arg0: i32) -> (i32, i32) {
    %c0_i32 = arith.constant 0 : i32
    %c0_i32_0 = arith.constant 0 : i32
    %c0_i32_1 = arith.constant 0 : i32
    return %c0_i32, %c0_i32_0 : i32, i32
  }
  func.func @transform_4(%arg0: i32) -> (i32, i32, i32) {
    %c0_i32 = arith.constant 0 : i32
    %c0_i32_0 = arith.constant 0 : i32
    %c0_i32_1 = arith.constant 0 : i32
    return %arg0, %c0_i32, %c0_i32_0 : i32, i32, i32
  }
  func.func @transform_5(%arg0: i32) -> (i32, i32) {
    %c0_i32 = arith.constant 0 : i32
    %c0_i32_0 = arith.constant 0 : i32
    %c0_i32_1 = arith.constant 0 : i32
    return %c0_i32, %c0_i32_0 : i32, i32
  }
  func.func @transform_6(%arg0: i32) -> (i32, i32, i32) {
    %c0_i32 = arith.constant 0 : i32
    %c0_i32_0 = arith.constant 0 : i32
    %c0_i32_1 = arith.constant 0 : i32
    return %arg0, %c0_i32, %c0_i32_0 : i32, i32, i32
  }
}

</mosaic_0001>

<sc_bundles>
// kernel: kernel.5.cloned.1.call-start
scs
__scs_entry_jumppad:
0x0: {  	(pc) =	sbr.rel $0x88, $3  }
0x1: {  	(tag) =	ssettag $0x0;
	lr =	simm.s32 $0x1  }
0x2: {  	[smem:$0x3F9C] =	sst lr;
	_ =	strace $0xD0000000  }
0x3: {  	_ = 	snop  }
0x4: {  	_ = 	snop  }
0x5: {  	_ = 	snop  }
0x6: {  	_ = 	snop  }
0x7: {  	_ = 	snop  }
__scs_overlays_trampoline_lowered:
0x8: {  	[smem:$0x3FAB] =	sst s0  }
0x9: {  	[smem:$0x3FAC] =	sst s1  }
0xa: {  	[smem:$0x3FAD] =	sst s2  }
0xb: {  	[smem:$0x3FAE] =	sst s3  }
0xc: {  	[smem:$0x3FAF] =	sst s4  }
0xd: {  	[smem:$0x3FB0] =	sst s5  }
0xe: {  	[smem:$0x3FB1] =	sst s6  }
0xf: {  	[smem:$0x3FB2] =	sst s7  }
0x10: {  	[smem:$0x3FB3] =	sst s8  }
0x11: {  	[smem:$0x3FB4] =	sst s9;
	s0 =	simm.s32 @!p0 $0x0  }
0x12: {  	s1 =	sld [smem:$0x3F9A];
	s0 =	simm.s32 @p0 $0x1  }
0x13: {  	[smem:$0x3FB5] =	sst s0;
	s0 =	simm.s32 @!p1 $0x0  }
0x14: {  	s2 =	sld [smem:$0x3F99];
	s0 =	simm.s32 @p1 $0x1  }
0x15: {  	[smem:$0x3FB6] =	sst s0;
	s0 =	simm.s32 @!p2 $0x0  }
0x16: {  	s3 =	sld [smem:$0x3FDB];
	s0 =	simm.s32 @p2 $0x1  }
0x17: {  	s4 =	simm.s32 $0x1BF5;
	[smem:$0x3FB8] =	sst s0  }
0x18: {  	s0 =	sld [smem:$0x3F9B];
	_ =	swait.ge [sflag:s4], $0x0  }
0x19: {  	s7 =	sld [smem:$0x3F9C]  }
0x1a: {  	s8 =	sadd.s32 $0xFFFFE003, lr  }
0x1b: {  	s9 =	sadd.s32 $0xFFFFFEF7, lr;
	s5 =	simm.s32 $0xFFFFFFFF;
	p2 =	slt.u32 s8, $0xFFFFF086  }
0x1c: {  	p1 =	slt.u32 s9, $0xF7A;
	s5 =	simm.s32 @!p2 $0x0  }
0x1d: {  	s5 =	simm.s32 @p1 $0x1;
	p0 =	seq.s32 s7, s2  }
0x1e: {  	s7 =	smul.u32 @!p0 $0xF7A, s2;
	p2 =	seq.s32 @!p0 s5, $0x0  }
0x1f: {  	s9 =	smul.u32 $0xF7A, s1;
	s8 =	simm.s32 @!p0 $0x1BF5;
	p2 =	por !p2, p0  }
0x20: {  	[sflag:s8] =	ssyncset.s32 @!p0 $0xFFFFF086;
	s6 =	sadd.s32 @!p0 s3, s7;
	s7 =	simm.s32 @!p0 $0x108  }
0x21: {  	s3 =	sadd.s32 s3, s9;
	s6 =	sadd.s32 @!p0 $0x88, s6;
	s7 =	simm.s32 @p2 $0x1082  }
0x22: {  	[simem:s7], [sflag:s8] =	dma.local @!p0 [hbm:s6], $0xF7A  }
0x23: {  	s9 =	sor.u32 $0xD0000000, s2;
	s6 =	simm.s32 $0x108;
	_ =	swait.ge @!p0 [sflag:s8], $0x0  }
0x24: {  	s3 =	sadd.s32 $0x88, s3;
	s6 =	simm.s32 @!p1 $0x1082;
	[sflag:s4] =	ssyncset.s32 $0xFFFFF086  }
0x25: {  	[simem:s6], [sflag:s4] =	dma.local [hbm:s3], $0xF7A  }
0x26: {  	[smem:$0x3F9C] =	sst s1;
	(tag) =	ssettag s2;
	_ =	strace s9  }
0x27: {  	s1 =	sld [smem:$0x3FAC]  }
0x28: {  	s2 =	sld [smem:$0x3FAD]  }
0x29: {  	s4 =	sld [smem:$0x3FAF]  }
0x2a: {  	p0 =	seq.s32 s5, $0x0;
	s5 =	sld [smem:$0x3FB0]  }
0x2b: {  	s6 =	sld [smem:$0x3FB1]  }
0x2c: {  	s7 =	sld [smem:$0x3FB2]  }
0x2d: {  	s3 =	simm.s32 $0x108;
	s8 =	sld [smem:$0x3FB3]  }
0x2e: {  	s3 =	simm.s32 @!p0 $0x1082;
	s9 =	sld [smem:$0x3FB4]  }
0x2f: {  	lr =	sadd.s32 s0, s3;
	s0 =	sld [smem:$0x3FAB]  }
0x30: {  	s3 =	sld [smem:$0x3FAE]  }
0x31: {  	[smem:$0x3FB7] =	sst s10  }
0x32: {  	s10 =	sld [smem:$0x3FB5];
	_ =	sdelay $0x3  }
0x33: {  	p0 =	seq.s32 s10, $0x1;
	s10 =	sld [smem:$0x3FB7];
	_ =	sdelay $0x3  }
0x34: {  	[smem:$0x3FB7] =	sst s10  }
0x35: {  	s10 =	sld [smem:$0x3FB6];
	_ =	sdelay $0x3  }
0x36: {  	p1 =	seq.s32 s10, $0x1;
	s10 =	sld [smem:$0x3FB7];
	_ =	sdelay $0x3  }
0x37: {  	[smem:$0x3FB7] =	sst s10  }
0x38: {  	s10 =	sld [smem:$0x3FB8]  }
0x39: {  	_ = 	snop;
	(pc) =	sbr.ind lr, $3  }
0x3a: {  	_ = 	snop  }
0x3b: {  	_ = 	snop  }
0x3c: {  	p2 =	seq.s32 s10, $0x1;
	s10 =	sld [smem:$0x3FB7]  }
0x3d: {  	_ =	shalt  }
0x3e: {  	_ =	shalt  }
0x3f: {  	_ =	shalt  }
0x40: {  	_ =	shalt  }
0x41: {  	_ =	shalt  }
0x42: {  	_ =	shalt  }
0x43: {  	_ =	shalt  }
0x44: {  	_ =	shalt  }
0x45: {  	_ =	shalt  }
0x46: {  	_ =	shalt  }
0x47: {  	_ =	shalt  }
0x48: {  	_ =	shalt  }
0x49: {  	_ =	shalt  }
0x4a: {  	_ =	shalt  }
0x4b: {  	_ =	shalt  }
0x4c: {  	_ =	shalt  }
0x4d: {  	_ =	shalt  }
0x4e: {  	_ =	shalt  }
0x4f: {  	_ =	shalt  }
0x50: {  	_ =	shalt  }
0x51: {  	_ =	shalt  }
0x52: {  	_ =	shalt  }
0x53: {  	_ =	shalt  }
0x54: {  	_ =	shalt  }
0x55: {  	_ =	shalt  }
0x56: {  	_ =	shalt  }
0x57: {  	_ =	shalt  }
0x58: {  	_ =	shalt  }
0x59: {  	_ =	shalt  }
0x5a: {  	_ =	shalt  }
0x5b: {  	_ =	shalt  }
0x5c: {  	_ =	shalt  }
0x5d: {  	_ =	shalt  }
0x5e: {  	_ =	shalt  }
0x5f: {  	_ =	shalt  }
0x60: {  	_ =	shalt  }
0x61: {  	_ =	shalt  }
0x62: {  	_ =	shalt  }
0x63: {  	_ =	shalt  }
0x64: {  	_ =	shalt  }
0x65: {  	_ =	shalt  }
0x66: {  	_ =	shalt  }
0x67: {  	_ =	shalt  }
0x68: {  	_ =	shalt  }
0x69: {  	_ =	shalt  }
0x6a: {  	_ =	shalt  }
0x6b: {  	_ =	shalt  }
0x6c: {  	_ =	shalt  }
0x6d: {  	_ =	shalt  }
0x6e: {  	_ =	shalt  }
0x6f: {  	_ =	shalt  }
0x70: {  	_ =	shalt  }
0x71: {  	_ =	shalt  }
0x72: {  	_ =	shalt  }
0x73: {  	_ =	shalt  }
0x74: {  	_ =	shalt  }
0x75: {  	_ =	shalt  }
0x76: {  	_ =	shalt  }
0x77: {  	_ =	shalt  }
0x78: {  	_ =	shalt  }
0x79: {  	_ =	shalt  }
0x7a: {  	_ =	shalt  }
0x7b: {  	_ =	shalt  }
0x7c: {  	_ =	shalt  }
0x7d: {  	_ =	shalt  }
0x7e: {  	_ =	shalt  }
0x7f: {  	_ =	shalt  }
0x80: {  	_ =	shalt  }
0x81: {  	_ =	shalt  }
0x82: {  	_ =	shalt  }
0x83: {  	_ =	shalt  }
0x84: {  	_ =	shalt  }
0x85: {  	_ =	shalt  }
0x86: {  	_ =	shalt  }
0x87: {  	_ =	shalt  }
.Lfunc_end0:
.L_simem_size_0:
called_computation_lowered:
.L_overlay_start_0:
0x88: {  	s2 =	sld [smem:$0x3FD9]  }
0x89: {  	s3 =	sld [smem:$0x3FFE];
	_ =	sdelay $0x1  }
0x8a: {  	s1 =	srdreg.scid  }
0x8b: {  	s0 =	sand.u32 $0x1, s1  }
0x8c: {  	s14 =	sshll.u32 s0, $0xA;
	s2 =	sadd.s32 s3, s2  }
0x8d: {  	s2 =	sadd.s32 s2, s14  }
0x8e: {  	[smem:$0x3FC3] =	sst s2  }
0x8f: {  	_ = 	snop  }
0x90: {  	s2 =	sld [smem:$0x3FD0];
	_ =	sdelay $0x2  }
0x91: {  	s15 =	simm.s32 $0xA;
	s4 =	simm.s32 $0x10  }
0x92: {  	[smem:s4], [sflag:s15] =	dma.local [hbm:s2], $0x1  }
0x93: {  	_ =	swait.eq [sflag:s15], $0x1  }
0x94: {  	[sflag:s15] =	ssyncset.done $0x0  }
0x95: {  	[sflag:s15] =	ssyncadd.s32 $0xFFFFFFFF  }
0x96: {  	s16 =	sld [smem:$0x11];
	(tm) =	ssettm $0x1  }
0x97: {  	s17 =	sld [smem:$0x3FFB];
	_ =	sdelay $0x3  }
0x98: {  	_ =	strace s17  }
0x99: {  	s3 =	sld [smem:$0x3FFC];
	_ =	sdelay $0x3  }
0x9a: {  	_ =	strace s3  }
0x9b: {  	s3 =	sld [smem:$0x3FFD];
	_ =	sdelay $0x3  }
0x9c: {  	_ =	strace s3  }
0x9d: {  	_ =	strace $0x8FFFFFFF  }
0x9e: {  	s18 =	sld [smem:$0x3FDB];
	_ =	sdelay $0x1  }
0x9f: {  	s19 =	simm.s32 $_scs_section_size  }
0xa0: {  	s5 =	simm.s32 $_size__tile_overlayer_lowered;
	s6 =	simm.s32 $_tile_overlayer_lowered  }
0xa1: {  	s22 =	simm.s32 $0x1BFF;
	s21 =	sshll.u32 s6, $0x1;
	s3 =	sadd.s32 s19, s18  }
0xa2: {  	s7 =	simm.s32 $0x0;
	s20 =	sshll.u32 s5, $0x1;
	s5 =	sadd.s32 s21, s3  }
0xa3: {  	[timem:s7], [sflag:s22] =	dma.local [hbm:s5], s20  }
0xa4: {  	_ =	swait.ge [sflag:s22], s20  }
0xa5: {  	s4 =	ssub.s32 $0x0, s20;
	[sflag:s22] =	ssyncset.done $0x0  }
0xa6: {  	[sflag:s22] =	ssyncadd.s32 s4;
	_ =	sdelay $0x1  }
0xa7: {  	s23 =	simm.s32 $0x1B8B  }
0xa8: {  	_ =	swait.ge [sflag:s23], $0x1  }
0xa9: {  	[sflag:s23] =	ssyncset.done $0x0  }
0xaa: {  	s25 =	simm.s32 $0x1B8E;
	s24 =	sld [smem:$0x3FFE];
	[sflag:s23] =	ssyncadd.s32 $0xFFFFFFFF  }
0xab: {  	s26 =	simm.s32 $execute0_lowered;
	[smem:$0x3FD2] =	sst s25  }
0xac: {  	s5 =	sshll.u32 s26, $0x1;
	_ =	strace $0x80000046;
	[dreg:$0x1] =	wrdreg $0xFFFFFFFF  }
0xad: {  	s28 =	simm.s32 $_size_execute0_lowered;
	s3 =	sadd.s32 s3, s5;
	[dreg:$0x0] =	wrdreg $0x0  }
0xae: {  	s5 =	sshll.u32 s28, $0x1;
	[dreg:$0x2] =	wrdreg s3  }
0xaf: {  	[dreg:$0x3] =	wrdreg s5  }
0xb0: {  	[dreg:$0x4] =	wrdreg $0xC0  }
0xb1: {  	_ =	task [dreg:s7], $0x5FFFF  }
0xb2: {  	[dreg:$0x1] =	wrdreg $0xFFFFFFFF  }
0xb3: {  	[dreg:$0x0] =	wrdreg $0x60  }
0xb4: {  	[dreg:$0x2] =	wrdreg s24  }
0xb5: {  	[dreg:$0x3] =	wrdreg s16  }
0xb6: {  	[dreg:$0x4] =	wrdreg $0x9  }
0xb7: {  	_ =	task.clear_ibuf [dreg:s7], $0x5FFFF;
	_ =	strace $0x90000046  }
0xb8: {  	s29 =	simm.s32 $0x9;
	_ =	strace $0x80000048  }
0xb9: {  	_ =	swait.ge [sflag:s29], $0x1  }
0xba: {  	[sflag:s29] =	ssyncadd.s32 $0xFFFFFFFF  }
0xbb: {  	_ =	strace $0x90000048  }
0xbc: {  	_ =	sfence  }
0xbd: {  	s30 =	sld [smem:$0x0];
	_ =	sdelay $0x2  }
0xbe: {  	s31 =	sshll.u32 s1, $0xD;
	s1 =	sshrl.u32 s1, $0x2  }
0xbf: {  	s3 =	sand.u32 $0x4000, s31;
	s1 =	sadd.s32 s1, s30  }
0xc0: {  	s0 =	sor.u32 s3, s0;
	s1 =	sshll.u32 s1, $0x11  }
0xc1: {  	s0 =	sor.u32 s1, s0  }
0xc2: {  	s0 =	sadd.s32 $0x8F2B, s0  }
0xc3: {  	[sflag:s0] =	ssyncadd.remote.s32 $0x1  }
0xc4: {  	_ =	sfence.sel $0xFFFF  }
0xc5: {  	[dreg:$0x0] =	wrdreg $0xFFFFFFFF;
	(pc) =	sbr.abs _section_cstart, $3  }
0xc6: {  	[dreg:$0x1] =	wrdreg $0xFFFFFFFF  }
0xc7: {  	_ =	task.clear_ibuf [dreg:s7], $0x2FFFF;
	_ =	strace $0x9FFFFFFF  }
0xc8: {  	(tm) =	ssettm $0x7FFFFFFF  }
0xc9: {  	_ =	shalt  }
tec
execute0_lowered:
.L_overlay_start_1:
0x0: {  	(tag) =	ssettag $0x1  }
0x1: {  	s1 =	srdreg.scid;
	s0 =	stileid.u32  }
0x2: {  	s30 =	sand.u32 $0x1, s1;
	s26 =	sshll.u32 s0, $0x1  }
0x3: {  	s21 =	rddreg [dreg:$0x0];
	s31 =	sor.u32 s30, s26  }
0x4: {  	s3 =	rddreg [dreg:$0x1];
	s2 =	simm.s32 $0x0;
	s4 =	smul.u32 $0xC8, s31  }
0x5: {  	[smem:$0x7FF] =	sst s2  }
0x6: {  	_ =	strace $0x80000047;
	s4 =	sadd.s32 s3, s4;
	s3 =	simm.s32 $0x2  }
0x7: {  	[tilespmem:s2], [sflag:$0x2] =	stream.linear.gather [hbm4b:s4+s2], $0x640, $0x38;
	[tilespmem:$0x19680] =	vst v63  }
0x8: {  	_ =	swait.ge [sflag:s3], $0x640  }
0x9: {  	s6 =	simm.s32 $0x80;
	[sflag:s3] =	ssyncset.done $0x0  }
0xa: {  	s7 =	simm.s32 $0x680;
	s5 =	sadd.s32 $0xE00, s21;
	[sflag:s3] =	ssyncadd.s32 $0xFFFFF9C0  }
0xb: {  	[tilespmem:s7], [sflag:$0x1] =	stream.indirect.gather [hbm4b:s5+s6], $0x80, s2, s6, $0xb8;
	[tilespmem:$0x19680] =	vst v63  }
0xc: {  	s8 =	simm.s32 $0x4680  }
0xd: {  	[tilespmem:s8], [sflag:$0x1] =	stream.indirect.gather [hbm4b:s5+s6], $0x80, s6, s6, $0xb8;
	[tilespmem:$0x19680] =	vst v63  }
0xe: {  	s9 =	simm.s32 $0x100;
	s10 =	simm.s32 $0x8680  }
0xf: {  	[tilespmem:s10], [sflag:$0x1] =	stream.indirect.gather [hbm4b:s5+s6], $0x80, s9, s6, $0xb8;
	[tilespmem:$0x19680] =	vst v63  }
0x10: {  	s11 =	simm.s32 $0x180;
	s12 =	simm.s32 $0xC680  }
0x11: {  	[tilespmem:s12], [sflag:$0x1] =	stream.indirect.gather [hbm4b:s5+s6], $0x80, s11, s6, $0xb8;
	[tilespmem:$0x19680] =	vst v63  }
0x12: {  	s13 =	simm.s32 $0x200;
	s14 =	simm.s32 $0x10680  }
0x13: {  	[tilespmem:s14], [sflag:$0x1] =	stream.indirect.gather [hbm4b:s5+s6], $0x80, s13, s6, $0xb8;
	[tilespmem:$0x19680] =	vst v63  }
0x14: {  	s15 =	simm.s32 $0x280;
	s16 =	simm.s32 $0x14680;
	s17 =	simm.s32 $0x20  }
0x15: {  	[tilespmem:s16], [sflag:$0x1] =	stream.indirect.gather [hbm4b:s5+s6], $0x80, s15, s6, $0xb8;
	[tilespmem:$0x19680] =	vst v63  }
0x16: {  	s18 =	simm.s32 $0x300;
	s19 =	simm.s32 $0x18680;
	s20 =	simm.s32 $0x1  }
0x17: {  	[tilespmem:s19], [sflag:$0x1] =	stream.indirect.gather [hbm4b:s5+s17], $0x80, s18, s17, $0xb8;
	[tilespmem:$0x19680] =	vst v63  }
0x18: {  	_ =	swait.ge [sflag:s20], $0x4000  }
0x19: {  	[sflag:s20] =	ssyncset.done $0x0  }
0x1a: {  	[sflag:s20] =	ssyncadd.s32 $0xFFFFC000  }
0x1b: {  	_ =	swait.ge [sflag:s20], $0x4000  }
0x1c: {  	[sflag:s20] =	ssyncset.done $0x0  }
0x1d: {  	[sflag:s20] =	ssyncadd.s32 $0xFFFFC000  }
0x1e: {  	_ =	swait.ge [sflag:s20], $0x4000  }
0x1f: {  	[sflag:s20] =	ssyncset.done $0x0  }
0x20: {  	[sflag:s20] =	ssyncadd.s32 $0xFFFFC000  }
0x21: {  	_ =	swait.ge [sflag:s20], $0x4000  }
0x22: {  	[sflag:s20] =	ssyncset.done $0x0  }
0x23: {  	[sflag:s20] =	ssyncadd.s32 $0xFFFFC000  }
0x24: {  	_ =	swait.ge [sflag:s20], $0x4000  }
0x25: {  	[sflag:s20] =	ssyncset.done $0x0  }
0x26: {  	[sflag:s20] =	ssyncadd.s32 $0xFFFFC000  }
0x27: {  	_ =	swait.ge [sflag:s20], $0x4000  }
0x28: {  	[sflag:s20] =	ssyncset.done $0x0  }
0x29: {  	[sflag:s20] =	ssyncadd.s32 $0xFFFFC000  }
0x2a: {  	s22 =	smul.u32 $0x6400, s31;
	_ =	swait.ge [sflag:s20], $0x1000  }
0x2b: {  	s1 =	sadd.s32 $0x187800, s21;
	[sflag:s20] =	ssyncset.done $0x0  }
0x2c: {  	s21 =	sadd.s32 s1, s22;
	[sflag:s20] =	ssyncadd.s32 $0xFFFFF000  }
0x2d: {  	[hbm4b:s21+s2] =	stream.linear.scatter [tilespmem:s7], [sflag:$0x2], $0x19000, $0x38;
	[tilespmem:$0x19680] =	vst v63  }
0x2e: {  	_ =	swait.ge [sflag:s3], $0x19000  }
0x2f: {  	[sflag:s3] =	ssyncset.done $0x0  }
0x30: {  	s22 =	simm.s32 $0x320;
	[sflag:s3] =	ssyncadd.s32 $0xFFFE7000  }
0x31: {  	[tilespmem:s7], [sflag:$0x1] =	stream.indirect.gather [hbm4b:s5+s6], $0x80, s22, s6, $0xb8;
	[tilespmem:$0x19680] =	vst v63  }
0x32: {  	s23 =	simm.s32 $0x3A0  }
0x33: {  	[tilespmem:s8], [sflag:$0x1] =	stream.indirect.gather [hbm4b:s5+s6], $0x80, s23, s6, $0xb8;
	[tilespmem:$0x19680] =	vst v63  }
0x34: {  	s24 =	simm.s32 $0x420  }
0x35: {  	[tilespmem:s10], [sflag:$0x1] =	stream.indirect.gather [hbm4b:s5+s6], $0x80, s24, s6, $0xb8;
	[tilespmem:$0x19680] =	vst v63  }
0x36: {  	s25 =	simm.s32 $0x4A0  }
0x37: {  	[tilespmem:s12], [sflag:$0x1] =	stream.indirect.gather [hbm4b:s5+s6], $0x80, s25, s6, $0xb8;
	[tilespmem:$0x19680] =	vst v63  }
0x38: {  	s26 =	simm.s32 $0x520  }
0x39: {  	[tilespmem:s14], [sflag:$0x1] =	stream.indirect.gather [hbm4b:s5+s6], $0x80, s26, s6, $0xb8;
	[tilespmem:$0x19680] =	vst v63  }
0x3a: {  	s28 =	simm.s32 $0x5A0  }
0x3b: {  	[tilespmem:s16], [sflag:$0x1] =	stream.indirect.gather [hbm4b:s5+s6], $0x80, s28, s6, $0xb8;
	[tilespmem:$0x19680] =	vst v63  }
0x3c: {  	s29 =	simm.s32 $0x620  }
0x3d: {  	[tilespmem:s19], [sflag:$0x1] =	stream.indirect.gather [hbm4b:s5+s17], $0x80, s29, s17, $0xb8;
	[tilespmem:$0x19680] =	vst v63  }
0x3e: {  	_ =	swait.ge [sflag:s20], $0x4000  }
0x3f: {  	[sflag:s20] =	ssyncset.done $0x0  }
0x40: {  	[sflag:s20] =	ssyncadd.s32 $0xFFFFC000  }
0x41: {  	_ =	swait.ge [sflag:s20], $0x4000  }
0x42: {  	[sflag:s20] =	ssyncset.done $0x0  }
0x43: {  	[sflag:s20] =	ssyncadd.s32 $0xFFFFC000  }
0x44: {  	_ =	swait.ge [sflag:s20], $0x4000  }
0x45: {  	[sflag:s20] =	ssyncset.done $0x0  }
0x46: {  	[sflag:s20] =	ssyncadd.s32 $0xFFFFC000  }
0x47: {  	_ =	swait.ge [sflag:s20], $0x4000  }
0x48: {  	[sflag:s20] =	ssyncset.done $0x0  }
0x49: {  	[sflag:s20] =	ssyncadd.s32 $0xFFFFC000  }
0x4a: {  	_ =	swait.ge [sflag:s20], $0x4000  }
0x4b: {  	[sflag:s20] =	ssyncset.done $0x0  }
0x4c: {  	s30 =	ssub.s32 $0x2, s30;
	[sflag:s20] =	ssyncadd.s32 $0xFFFFC000  }
0x4d: {  	s0 =	sshrl.u32 s30, $0x1;
	_ =	swait.ge [sflag:s20], $0x4000  }
0x4e: {  	s31 =	smul.u32 $0x32000, s31;
	s0 =	ssub.s32 s30, s0;
	[sflag:s20] =	ssyncset.done $0x0  }
0x4f: {  	s0 =	smax.u32 s0, $0x1;
	[sflag:s20] =	ssyncadd.s32 $0xFFFFC000  }
0x50: {  	s31 =	sshrl.u32 s31, $0x3;
	p0 =	sne.s32 s0, $0x1;
	_ =	swait.ge [sflag:s20], $0x1000  }
.Ltmp0:
0x51: {  	s1 =	sadd.s32 s1, s31;
	[sflag:s20] =	ssyncset.done $0x0;
	(pc) =	sbr.rel @!p0 .LBB2_2-.Ltmp0, $4  }
0x52: {  	s30 =	sadd.s32 $0x3200, s1;
	[sflag:s20] =	ssyncadd.s32 $0xFFFFF000  }
0x53: {  	[hbm4b:s30+s2] =	stream.linear.scatter [tilespmem:s7], [sflag:$0x2], $0x19000, $0x38;
	[tilespmem:$0x19680] =	vst v63  }
0x54: {  	_ =	swait.ge [sflag:s3], $0x19000  }
0x55: {  	s31 =	sadd.s32 $0xFFFFFFFF, s0;
	[sflag:s3] =	ssyncset.done $0x0  }
.LBB2_1:
0x56: {  	p0 =	sne.s32 s31, $0x1;
	s31 =	sadd.s32 $0xFFFFFFFF, s31;
	[sflag:s3] =	ssyncadd.s32 $0xFFFE7000  }
0x57: {  	[tilespmem:s2], [sflag:$0x2] =	stream.linear.gather [hbm4b:s4+s2], $0x640, $0x38;
	[tilespmem:$0x19680] =	vst v63  }
0x58: {  	_ =	swait.ge [sflag:s3], $0x640  }
0x59: {  	[sflag:s3] =	ssyncset.done $0x0  }
0x5a: {  	[sflag:s3] =	ssyncadd.s32 $0xFFFFF9C0  }
0x5b: {  	[tilespmem:s7], [sflag:$0x1] =	stream.indirect.gather [hbm4b:s5+s6], $0x80, s2, s6, $0xb8;
	[tilespmem:$0x19680] =	vst v63  }
0x5c: {  	_ = 	snop  }
0x5d: {  	[tilespmem:s8], [sflag:$0x1] =	stream.indirect.gather [hbm4b:s5+s6], $0x80, s6, s6, $0xb8;
	[tilespmem:$0x19680] =	vst v63  }
0x5e: {  	_ = 	snop  }
0x5f: {  	[tilespmem:s10], [sflag:$0x1] =	stream.indirect.gather [hbm4b:s5+s6], $0x80, s9, s6, $0xb8;
	[tilespmem:$0x19680] =	vst v63  }
0x60: {  	_ = 	snop  }
0x61: {  	[tilespmem:s12], [sflag:$0x1] =	stream.indirect.gather [hbm4b:s5+s6], $0x80, s11, s6, $0xb8;
	[tilespmem:$0x19680] =	vst v63  }
0x62: {  	_ = 	snop  }
0x63: {  	[tilespmem:s14], [sflag:$0x1] =	stream.indirect.gather [hbm4b:s5+s6], $0x80, s13, s6, $0xb8;
	[tilespmem:$0x19680] =	vst v63  }
0x64: {  	_ = 	snop  }
0x65: {  	[tilespmem:s16], [sflag:$0x1] =	stream.indirect.gather [hbm4b:s5+s6], $0x80, s15, s6, $0xb8;
	[tilespmem:$0x19680] =	vst v63  }
0x66: {  	_ = 	snop  }
0x67: {  	[tilespmem:s19], [sflag:$0x1] =	stream.indirect.gather [hbm4b:s5+s17], $0x80, s18, s17, $0xb8;
	[tilespmem:$0x19680] =	vst v63  }
0x68: {  	_ =	swait.ge [sflag:s20], $0x4000  }
0x69: {  	[sflag:s20] =	ssyncset.done $0x0  }
0x6a: {  	[sflag:s20] =	ssyncadd.s32 $0xFFFFC000  }
0x6b: {  	_ =	swait.ge [sflag:s20], $0x4000  }
0x6c: {  	[sflag:s20] =	ssyncset.done $0x0  }
0x6d: {  	[sflag:s20] =	ssyncadd.s32 $0xFFFFC000  }
0x6e: {  	_ =	swait.ge [sflag:s20], $0x4000  }
0x6f: {  	[sflag:s20] =	ssyncset.done $0x0  }
0x70: {  	[sflag:s20] =	ssyncadd.s32 $0xFFFFC000  }
0x71: {  	_ =	swait.ge [sflag:s20], $0x4000  }
0x72: {  	[sflag:s20] =	ssyncset.done $0x0  }
0x73: {  	[sflag:s20] =	ssyncadd.s32 $0xFFFFC000  }
0x74: {  	_ =	swait.ge [sflag:s20], $0x4000  }
0x75: {  	[sflag:s20] =	ssyncset.done $0x0  }
0x76: {  	[sflag:s20] =	ssyncadd.s32 $0xFFFFC000  }
0x77: {  	_ =	swait.ge [sflag:s20], $0x4000  }
0x78: {  	[sflag:s20] =	ssyncset.done $0x0  }
0x79: {  	[sflag:s20] =	ssyncadd.s32 $0xFFFFC000  }
0x7a: {  	_ =	swait.ge [sflag:s20], $0x1000  }
0x7b: {  	[sflag:s20] =	ssyncset.done $0x0  }
0x7c: {  	[sflag:s20] =	ssyncadd.s32 $0xFFFFF000  }
0x7d: {  	[hbm4b:s21+s2] =	stream.linear.scatter [tilespmem:s7], [sflag:$0x2], $0x19000, $0x38;
	[tilespmem:$0x19680] =	vst v63  }
0x7e: {  	_ =	swait.ge [sflag:s3], $0x19000  }
0x7f: {  	[sflag:s3] =	ssyncset.done $0x0  }
0x80: {  	[sflag:s3] =	ssyncadd.s32 $0xFFFE7000  }
0x81: {  	[tilespmem:s7], [sflag:$0x1] =	stream.indirect.gather [hbm4b:s5+s6], $0x80, s22, s6, $0xb8;
	[tilespmem:$0x19680] =	vst v63  }
0x82: {  	_ = 	snop  }
0x83: {  	[tilespmem:s8], [sflag:$0x1] =	stream.indirect.gather [hbm4b:s5+s6], $0x80, s23, s6, $0xb8;
	[tilespmem:$0x19680] =	vst v63  }
0x84: {  	_ = 	snop  }
0x85: {  	[tilespmem:s10], [sflag:$0x1] =	stream.indirect.gather [hbm4b:s5+s6], $0x80, s24, s6, $0xb8;
	[tilespmem:$0x19680] =	vst v63  }
0x86: {  	_ = 	snop  }
0x87: {  	[tilespmem:s12], [sflag:$0x1] =	stream.indirect.gather [hbm4b:s5+s6], $0x80, s25, s6, $0xb8;
	[tilespmem:$0x19680] =	vst v63  }
0x88: {  	_ = 	snop  }
0x89: {  	[tilespmem:s14], [sflag:$0x1] =	stream.indirect.gather [hbm4b:s5+s6], $0x80, s26, s6, $0xb8;
	[tilespmem:$0x19680] =	vst v63  }
0x8a: {  	_ = 	snop  }
0x8b: {  	[tilespmem:s16], [sflag:$0x1] =	stream.indirect.gather [hbm4b:s5+s6], $0x80, s28, s6, $0xb8;
	[tilespmem:$0x19680] =	vst v63  }
0x8c: {  	_ = 	snop  }
0x8d: {  	[tilespmem:s19], [sflag:$0x1] =	stream.indirect.gather [hbm4b:s5+s17], $0x80, s29, s17, $0xb8;
	[tilespmem:$0x19680] =	vst v63  }
0x8e: {  	_ =	swait.ge [sflag:s20], $0x4000  }
0x8f: {  	[sflag:s20] =	ssyncset.done $0x0  }
0x90: {  	[sflag:s20] =	ssyncadd.s32 $0xFFFFC000  }
0x91: {  	_ =	swait.ge [sflag:s20], $0x4000  }
0x92: {  	[sflag:s20] =	ssyncset.done $0x0  }
0x93: {  	[sflag:s20] =	ssyncadd.s32 $0xFFFFC000  }
0x94: {  	_ =	swait.ge [sflag:s20], $0x4000  }
0x95: {  	[sflag:s20] =	ssyncset.done $0x0  }
0x96: {  	[sflag:s20] =	ssyncadd.s32 $0xFFFFC000  }
0x97: {  	_ =	swait.ge [sflag:s20], $0x4000  }
0x98: {  	[sflag:s20] =	ssyncset.done $0x0  }
0x99: {  	[sflag:s20] =	ssyncadd.s32 $0xFFFFC000  }
0x9a: {  	_ =	swait.ge [sflag:s20], $0x4000  }
0x9b: {  	[sflag:s20] =	ssyncset.done $0x0  }
0x9c: {  	[sflag:s20] =	ssyncadd.s32 $0xFFFFC000  }
0x9d: {  	_ =	swait.ge [sflag:s20], $0x4000  }
0x9e: {  	[sflag:s20] =	ssyncset.done $0x0  }
0x9f: {  	[sflag:s20] =	ssyncadd.s32 $0xFFFFC000  }
0xa0: {  	_ =	swait.ge [sflag:s20], $0x1000  }
.Ltmp1:
0xa1: {  	[sflag:s20] =	ssyncset.done $0x0;
	(pc) =	sbr.rel @p0 .LBB2_1-.Ltmp1, $4  }
0xa2: {  	[sflag:s20] =	ssyncadd.s32 $0xFFFFF000  }
0xa3: {  	[hbm4b:s30+s2] =	stream.linear.scatter [tilespmem:s7], [sflag:$0x2], $0x19000, $0x38;
	[tilespmem:$0x19680] =	vst v63  }
0xa4: {  	_ =	swait.ge [sflag:s3], $0x19000  }
0xa5: {  	[sflag:s3] =	ssyncset.done $0x0  }
.LBB2_2:
0xa6: {  	[sflag:s3] =	ssyncadd.s32 $0xFFFE7000  }
0xa7: {  	_ =	sfence.sel $0x180000  }
0xa8: {  	[bflag:$0x0] =	sbarrier.arrive $0xFFFF  }
0xa9: {  	_ =	strace $0x90000047  }
0xaa: {  	s0 =	stileid.u32;
	[bflag:$0x2] =	sbarrier.arrive $0xFFFF  }
0xab: {  	p0 =	sne.s32 s0, $0x0;
	s0 =	rddreg [dreg:$0x2]  }
0xac: {  	s0 =	sadd.s32 @!p0 $0x100000, s0  }
0xad: {  	[sflag:s0] =	ssyncadd.tile.s32 @!p0 $0x1;
	_ =	shalt  }
.Lfunc_end2:
_tile_overlayer_lowered:
.L_overlay_start_2:
0xae: {  	(tag) =	ssettag $0x2  }
0xaf: {  	s0 =	rddreg [dreg:$0x0];
	s2 =	stileid.u32  }
0xb0: {  	s1 =	rddreg [dreg:$0x1];
	p0 =	sne.s32 s2, $0x0  }
0xb1: {  	s3 =	rddreg [dreg:$0x2];
	[bflag:$0x3] =	sbarrier.arrive $0xFFFF;
	s2 =	simm.s32 @!p0 $0x1C02  }
0xb2: {  	[timem:s3], [sflag:s2] =	dma.local @!p0 [hbm:s0], s1  }
0xb3: {  	s0 =	simm.s32 @!p0 $0x2  }
0xb4: {  	_ =	swait.ge @!p0 [sflag:s0], s1  }
0xb5: {  	s1 =	ssub.s32 @!p0 $0x0, s1;
	[sflag:s0] =	ssyncset.done @!p0 $0x0  }
0xb6: {  	[sflag:s0] =	ssyncadd.s32 @!p0 s1  }
0xb7: {  	[bflag:$0x3] =	sbarrier.arrive $0xFFFF  }
0xb8: {  	_ =	shalt  }

</sc_bundles>
